<compile_context>
chip_gen: v7x
topology: tpu7x:2x2x1
jax: 0.10.2.dev20260603
libtpu: 0.0.44.dev20260713+nightly
codegen_flags: <defaults>
</compile_context>

<pallas_src>
import functools

import jax
import jax.numpy as jnp
import numpy as np
from jax import lax
from jax.experimental import pallas as pl
from jax.experimental.pallas import tpu as pltpu
from jax.experimental.pallas import tpu_sc as plsc

_HALF_PI = float(np.pi / 2.0)
_NC = 2
_NS = 16
_NW = _NC * _NS
_L = 16
_CHUNK = 256
_PAIRS = [(2 * m, 2 * m + 1) for m in range(6)] + [
    (13 + 2 * m, 14 + 2 * m) for m in range(6)
]


def _sc_group(zbuf, evbuf, g):
    rows = g * _L + lax.iota(jnp.int32, _L)

    def col(c):
        return plsc.load_gather(zbuf, [rows, jnp.full((_L,), c, jnp.int32)])

    x = {c: col(c) for c in range(25) if c != 12}
    ivec = col(12)
    half = jnp.where(ivec >= 0.0, 0.5, -0.5)
    k = (ivec + half).astype(jnp.int32)
    th = (ivec - k.astype(jnp.float32)) * _HALF_PI
    t2 = th * th
    sr = th * (1.0 + t2 * (-1.0 / 6.0 + t2 * (1.0 / 120.0 + t2 * (-1.0 / 5040.0))))
    cr = 1.0 + t2 * (-0.5 + t2 * (1.0 / 24.0 + t2 * (-1.0 / 720.0)))
    q = k & 3
    c0 = jnp.where(q == 0, cr, jnp.where(q == 1, -sr, jnp.where(q == 2, -cr, sr)))
    s0 = jnp.where(q == 0, sr, jnp.where(q == 1, cr, jnp.where(q == 2, -sr, -cr)))
    q0 = x[0]
    q1 = x[1]
    h0 = jnp.abs(c0 * q0 - s0 * q1)
    h1 = jnp.abs(s0 * q0 + c0 * q1)
    h2 = jnp.abs(x[2])
    h3 = jnp.abs(x[3] + x[4] + x[5])
    j = jnp.zeros((_L,), jnp.int32)
    m = h0
    j = jnp.where(h1 > m, 1, j)
    m = jnp.maximum(m, h1)
    j = jnp.where(h2 > m, 2, j)
    m = jnp.maximum(m, h2)
    j = jnp.where(h3 > m, 3, j)
    c = jnp.where(j == 0, c0, jnp.where(j == 1, s0, jnp.where(j == 2, -c0, -s0)))
    s = jnp.where(j == 0, -s0, jnp.where(j == 1, c0, jnp.where(j == 2, s0, -c0)))

    evv = evbuf[pl.ds(g * _L, _L)] != 0

    def put(cidx, vals):
        plsc.store_scatter(
            zbuf, [rows, jnp.full((_L,), cidx, jnp.int32)], vals, mask=evv
        )

    put(12, j.astype(jnp.float32))
    for a, b in _PAIRS:
        put(a, c * x[a] - s * x[b])
        put(b, s * x[a] + c * x[b])


def _sc_body(z_hbm, ev_hbm, out_hbm, zb0, zb1, eb0, eb1, sin0, sin1, sout0, sout1):
    rows_per_worker = z_hbm.shape[0] // _NW
    nchunks = rows_per_worker // _CHUNK
    wid = lax.axis_index("s") * _NC + lax.axis_index("c")
    base = wid * rows_per_worker

    def start_in(kc, zb, eb, sem):
        row0 = base + kc * _CHUNK
        pltpu.make_async_copy(z_hbm.at[pl.ds(row0, _CHUNK)], zb, sem).start()
        pltpu.make_async_copy(ev_hbm.at[pl.ds(row0, _CHUNK)], eb, sem).start()

    def wait_in(zb, eb, sem):
        pltpu.make_async_copy(z_hbm.at[pl.ds(0, _CHUNK)], zb, sem).wait()
        pltpu.make_async_copy(ev_hbm.at[pl.ds(0, _CHUNK)], eb, sem).wait()

    def start_out(kc, zb, sem):
        row0 = base + kc * _CHUNK
        pltpu.make_async_copy(zb, out_hbm.at[pl.ds(row0, _CHUNK)], sem).start()

    def wait_out(zb, sem):
        pltpu.make_async_copy(zb, out_hbm.at[pl.ds(0, _CHUNK)], sem).wait()

    def compute(zb, eb):
        @plsc.parallel_loop(0, _CHUNK // _L, unroll=4)
        def group_body(g):
            _sc_group(zb, eb, g)

    start_in(0, zb0, eb0, sin0)

    def chunk_body(kc2, carry):
        k0 = kc2 * 2

        @pl.when(kc2 > 0)
        def _():
            wait_out(zb1, sout1)

        start_in(k0 + 1, zb1, eb1, sin1)
        wait_in(zb0, eb0, sin0)
        compute(zb0, eb0)
        start_out(k0, zb0, sout0)
        wait_in(zb1, eb1, sin1)
        compute(zb1, eb1)
        wait_out(zb0, sout0)

        @pl.when(kc2 + 1 < nchunks // 2)
        def _():
            start_in(k0 + 2, zb0, eb0, sin0)

        start_out(k0 + 1, zb1, sout1)
        return carry

    lax.fori_loop(0, nchunks // 2, chunk_body, 0)
    wait_out(zb1, sout1)


def kernel(t, z, ev):
    del t
    B, D = z.shape
    ev32 = ev.astype(jnp.int32)
    run = functools.partial(
        pl.kernel,
        out_type=jax.ShapeDtypeStruct((B, D), jnp.float32),
        mesh=plsc.VectorSubcoreMesh(core_axis_name="c", subcore_axis_name="s"),
        scratch_types=[
            pltpu.VMEM((_CHUNK, D), jnp.float32),
            pltpu.VMEM((_CHUNK, D), jnp.float32),
            pltpu.VMEM((_CHUNK,), jnp.int32),
            pltpu.VMEM((_CHUNK,), jnp.int32),
            pltpu.SemaphoreType.DMA,
            pltpu.SemaphoreType.DMA,
            pltpu.SemaphoreType.DMA,
            pltpu.SemaphoreType.DMA,
        ],
        compiler_params=pltpu.CompilerParams(
            needs_layout_passes=False, use_tc_tiling_on_sc=True
        ),
    )(_sc_body)
    return run(z, ev32)

# --- scband reference (transcript-rebuilt; emitter-appended) ---
"""Pipeline reference for scband-chart-switch-augmented-24996709663358 (READ-ONLY COPY).

The authoritative reference and input builder live on the scoring server;
editing this copy changes nothing except your own understanding.
"""

import jax, jax.numpy as jnp
import numpy as np

# --- stand-ins for the external `lie` module (structural translation) ---

def _unchart(qi, i):
    # lie.unchart: chart coords (6) + chart index -> ambient representation (4)
    ang = i * (jnp.pi / 2.0)
    c, s = jnp.cos(ang), jnp.sin(ang)
    h0 = c * qi[..., 0] - s * qi[..., 1]
    h1 = s * qi[..., 0] + c * qi[..., 1]
    h2 = qi[..., 2]
    h3 = qi[..., 3] + qi[..., 4] + qi[..., 5]
    return jnp.stack([h0, h1, h2, h3], axis=-1)

def _best_chart(H):
    # lie.bestChart: pick chart with the largest ambient coordinate magnitude
    return jnp.argmax(jnp.abs(H), axis=-1).astype(H.dtype)

def _rot_pairs(x, ang):
    # planar rotation applied to consecutive coordinate pairs of a 12-dim vector
    c = jnp.cos(ang)[..., None]
    s = jnp.sin(ang)[..., None]
    xe = x[..., 0::2]
    xo = x[..., 1::2]
    ye = c * xe - s * xo
    yo = s * xe + c * xo
    return jnp.stack([ye, yo], axis=-1).reshape(x.shape)

def _chart_trans_mix(xi, i, j):
    # lie.chart_trans_mix: coordinate transition between charts i -> j
    return _rot_pairs(xi, (j - i) * (jnp.pi / 2.0))

def _chart_trans_mix_Co(xi, lam, i, j):
    # lie.chart_trans_mix_Co: costate transforms by inverse-transpose Jacobian
    # (rotation -> same rotation)
    return _rot_pairs(lam, (j - i) * (jnp.pi / 2.0))

def _jump_map(t, z25):
    # vmapped jump_map of ChartSwitchAugmented (vectorized directly)
    xi = z25[..., :12]
    i = z25[..., 12]
    lam = z25[..., 13:25]
    qi = xi[..., :6]
    H = _unchart(qi, i)
    j = _best_chart(H)
    xj = _chart_trans_mix(xi, i, j)
    lamj = _chart_trans_mix_Co(xi, lam, i, j)
    return jnp.concatenate([xj, j[..., None], lamj], axis=-1)


def setup_inputs(seed: int = 0) -> dict:
    key = jax.random.key(seed)
    k1, k2, k3 = jax.random.split(key, 3)
    B = 1048576
    D = 32  # 12 + 1 + 12 + 7 remainder dims
    t = jax.random.uniform(k1, (B,), dtype=jnp.float32)
    z = jax.random.normal(k2, (B, D), dtype=jnp.float32)
    ev = jax.random.randint(k3, (B,), 0, 2) > 0
    return {"t": t, "z": z, "ev": ev}


def reference(t, z, ev):
    # ChartSwitchAugmented.batch_jump (des_props == None path)
    xi = z[..., :12]
    i = z[..., 12]
    lam = z[..., 13:25]
    rem = z[..., 25:]
    z25 = jnp.concatenate([xi, i[..., None], lam], axis=-1)
    jumped = _jump_map(t[: z25.shape[0]], z25)
    # masked scatter-overwrite: z[ev, :] = jump_map(t[ev], z[ev, :])
    z25_new = jnp.where(ev[..., None], jumped, z25)
    xi2 = z25_new[..., :12]
    i2 = z25_new[..., 12]
    lam2 = z25_new[..., 13:25]
    return jnp.concatenate([xi2, i2[..., None], lam2, rem], axis=-1)

if __name__ == "__main__":
    import jax
    _d = setup_inputs()
    print(jax.jit(kernel)(*tuple(_d.values())))

</pallas_src>

<mosaic_0001>
#map = affine_map<(d0, d1) -> (0, 0)>
#map1 = affine_map<(d0, d1) -> (0)>
module attributes {stable_mosaic.version = 14 : i64} {
  func.func @_sc_body(%arg0: i32, %arg1: i32, %arg2: memref<1048576x32xf32, #tpu.memory_space<hbm>>, %arg3: memref<1048576xi32, #tpu.memory_space<hbm>>, %arg4: memref<1048576x32xf32, #tpu.memory_space<hbm>>, %arg5: memref<256x32xf32, #tpu.memory_space<vmem>>, %arg6: memref<256x32xf32, #tpu.memory_space<vmem>>, %arg7: memref<256xi32, #tpu.memory_space<vmem>>, %arg8: memref<256xi32, #tpu.memory_space<vmem>>, %arg9: memref<!tpu.dma_semaphore, #tpu.memory_space<semaphore_mem>>, %arg10: memref<!tpu.dma_semaphore, #tpu.memory_space<semaphore_mem>>, %arg11: memref<!tpu.dma_semaphore, #tpu.memory_space<semaphore_mem>>, %arg12: memref<!tpu.dma_semaphore, #tpu.memory_space<semaphore_mem>>) attributes {dimension_semantics = [#tpu.dimension_semantics<core_parallel>, #tpu.dimension_semantics<subcore_parallel>], iteration_bounds = array<i64: 2, 16>, scalar_prefetch = 0 : i64, scratch_operands = 8 : i64, tpu.core_type = #tpu.core_type<sc_vector_subcore>, window_params = [{transform_indices = #map}, {transform_indices = #map1}, {transform_indices = #map}]} {
    %mul3A = arith.constant 2 : i32
    %mul3A_0 = arith.muli %arg1, %mul3A : i32
    %add3A = arith.addi %mul3A_0, %arg0 : i32
    %mul3A_1 = arith.constant 32768 : i32
    %mul3A_2 = arith.muli %add3A, %mul3A_1 : i32
    %add3A_3 = arith.constant 0 : i32
    %add3A_4 = arith.addi %mul3A_2, %add3A_3 : i32
    %dma_start3A = arith.constant 0 : i32
    %dma_start3A_5 = tpu.memref_slice %arg2[%add3A_4, %dma_start3A] : memref<1048576x32xf32, #tpu.memory_space<hbm>> -> memref<256x32xf32, #tpu.memory_space<hbm>>
    %dma_start3A_6 = arith.constant 0 : i32
    %dma_start3A_7 = tpu.memref_slice %arg2[%add3A_4, %dma_start3A_6] : memref<1048576x32xf32, #tpu.memory_space<hbm>> -> memref<256x32xf32, #tpu.memory_space<hbm>>
    tpu.enqueue_dma source(%dma_start3A_7 : memref<256x32xf32, #tpu.memory_space<hbm>>) target(%arg5 : memref<256x32xf32, #tpu.memory_space<vmem>>) target_semaphore(%arg9 : memref<!tpu.dma_semaphore, #tpu.memory_space<semaphore_mem>>)
    %dma_start3A_8 = tpu.memref_slice %arg3[%add3A_4] : memref<1048576xi32, #tpu.memory_space<hbm>> -> memref<256xi32, #tpu.memory_space<hbm>>
    %dma_start3A_9 = tpu.memref_slice %arg3[%add3A_4] : memref<1048576xi32, #tpu.memory_space<hbm>> -> memref<256xi32, #tpu.memory_space<hbm>>
    tpu.enqueue_dma source(%dma_start3A_9 : memref<256xi32, #tpu.memory_space<hbm>>) target(%arg7 : memref<256xi32, #tpu.memory_space<vmem>>) target_semaphore(%arg9 : memref<!tpu.dma_semaphore, #tpu.memory_space<semaphore_mem>>)
    %scan3A = arith.constant 0 : i32
    %scan3A_10 = arith.constant 0 : i32
    %scan3A_11 = arith.constant 64 : i32
    %scan3A_12 = arith.addi %scan3A_10, %scan3A_11 : i32
    %scan3A_13 = arith.constant 1 : i32
    scf.for %scan3A_20 = %scan3A_10 to %scan3A_12 step %scan3A_13  : i32 {
      %mul3A_21 = arith.constant 2 : i32
      %mul3A_22 = arith.muli %scan3A_20, %mul3A_21 : i32
      %gt3A = arith.constant 0 : i32
      %gt3A_23 = arith.cmpi sgt, %scan3A_20, %gt3A : i32
      %convert_element_type3A = arith.extui %gt3A_23 : i1 to i32
      %cond3A = arith.constant 0 : i32
      %cond3A_24 = arith.cmpi ne, %convert_element_type3A, %cond3A : i32
      scf.if %cond3A_24 {
        %dma_wait3A_89 = arith.constant 0 : i32
        %dma_wait3A_90 = arith.constant 0 : i32
        %dma_wait3A_91 = tpu.memref_slice %arg4[%dma_wait3A_89, %dma_wait3A_90] : memref<1048576x32xf32, #tpu.memory_space<hbm>> -> memref<256x32xf32, #tpu.memory_space<hbm>>
        %dma_wait3A_92 = arith.constant 0 : i32
        %dma_wait3A_93 = arith.constant 0 : i32
        %dma_wait3A_94 = tpu.memref_slice %arg4[%dma_wait3A_92, %dma_wait3A_93] : memref<1048576x32xf32, #tpu.memory_space<hbm>> -> memref<256x32xf32, #tpu.memory_space<hbm>>
        tpu.wait_dma2 semaphore(%arg12 : memref<!tpu.dma_semaphore, #tpu.memory_space<semaphore_mem>>) src(%arg6 : memref<256x32xf32, #tpu.memory_space<vmem>>) dst(%dma_wait3A_94 : memref<256x32xf32, #tpu.memory_space<hbm>>)
      } else {
      }
      %add3A_25 = arith.constant 1 : i32
      %add3A_26 = arith.addi %mul3A_22, %add3A_25 : i32
      %mul3A_27 = arith.constant 256 : i32
      %mul3A_28 = arith.muli %add3A_26, %mul3A_27 : i32
      %add3A_29 = arith.addi %mul3A_2, %mul3A_28 : i32
      %dma_start3A_30 = arith.constant 0 : i32
      %dma_start3A_31 = tpu.memref_slice %arg2[%add3A_29, %dma_start3A_30] : memref<1048576x32xf32, #tpu.memory_space<hbm>> -> memref<256x32xf32, #tpu.memory_space<hbm>>
      %dma_start3A_32 = arith.constant 0 : i32
      %dma_start3A_33 = tpu.memref_slice %arg2[%add3A_29, %dma_start3A_32] : memref<1048576x32xf32, #tpu.memory_space<hbm>> -> memref<256x32xf32, #tpu.memory_space<hbm>>
      tpu.enqueue_dma source(%dma_start3A_33 : memref<256x32xf32, #tpu.memory_space<hbm>>) target(%arg6 : memref<256x32xf32, #tpu.memory_space<vmem>>) target_semaphore(%arg10 : memref<!tpu.dma_semaphore, #tpu.memory_space<semaphore_mem>>)
      %dma_start3A_34 = tpu.memref_slice %arg3[%add3A_29] : memref<1048576xi32, #tpu.memory_space<hbm>> -> memref<256xi32, #tpu.memory_space<hbm>>
      %dma_start3A_35 = tpu.memref_slice %arg3[%add3A_29] : memref<1048576xi32, #tpu.memory_space<hbm>> -> memref<256xi32, #tpu.memory_space<hbm>>
      tpu.enqueue_dma source(%dma_start3A_35 : memref<256xi32, #tpu.memory_space<hbm>>) target(%arg8 : memref<256xi32, #tpu.memory_space<vmem>>) target_semaphore(%arg10 : memref<!tpu.dma_semaphore, #tpu.memory_space<semaphore_mem>>)
      %dma_wait3A_36 = arith.constant 0 : i32
      %dma_wait3A_37 = arith.constant 0 : i32
      %dma_wait3A_38 = tpu.memref_slice %arg2[%dma_wait3A_36, %dma_wait3A_37] : memref<1048576x32xf32, #tpu.memory_space<hbm>> -> memref<256x32xf32, #tpu.memory_space<hbm>>
      %dma_wait3A_39 = arith.constant 0 : i32
      %dma_wait3A_40 = arith.constant 0 : i32
      %dma_wait3A_41 = tpu.memref_slice %arg2[%dma_wait3A_39, %dma_wait3A_40] : memref<1048576x32xf32, #tpu.memory_space<hbm>> -> memref<256x32xf32, #tpu.memory_space<hbm>>
      tpu.wait_dma2 semaphore(%arg9 : memref<!tpu.dma_semaphore, #tpu.memory_space<semaphore_mem>>) src(%dma_wait3A_41 : memref<256x32xf32, #tpu.memory_space<hbm>>) dst(%arg5 : memref<256x32xf32, #tpu.memory_space<vmem>>)
      %dma_wait3A_42 = arith.constant 0 : i32
      %dma_wait3A_43 = tpu.memref_slice %arg3[%dma_wait3A_42] : memref<1048576xi32, #tpu.memory_space<hbm>> -> memref<256xi32, #tpu.memory_space<hbm>>
      %dma_wait3A_44 = arith.constant 0 : i32
      %dma_wait3A_45 = tpu.memref_slice %arg3[%dma_wait3A_44] : memref<1048576xi32, #tpu.memory_space<hbm>> -> memref<256xi32, #tpu.memory_space<hbm>>
      tpu.wait_dma2 semaphore(%arg9 : memref<!tpu.dma_semaphore, #tpu.memory_space<semaphore_mem>>) src(%dma_wait3A_45 : memref<256xi32, #tpu.memory_space<hbm>>) dst(%arg7 : memref<256xi32, #tpu.memory_space<vmem>>)
      %parallel_loop3A = arith.constant 0 : i32
      %parallel_loop3A_46 = arith.constant 16 : i32
      %parallel_loop3A_47 = arith.constant 1 : i32
      scf.for %parallel_loop3A_89 = %parallel_loop3A to %parallel_loop3A_46 step %parallel_loop3A_47  : i32 {
        %parallel_loop3A_90 = arith.constant 16 : i32
        %parallel_loop3A_91 = arith.muli %parallel_loop3A_89, %parallel_loop3A_90 : i32
        %parallel_loop3A_92 = tpu.iota {dimensions = array<i32: 0>} : vector<16xi32>
        %parallel_loop3A_93 = vector.broadcast %parallel_loop3A_91 : i32 to vector<16xi32>
        %parallel_loop3A_94 = arith.addi %parallel_loop3A_93, %parallel_loop3A_92 : vector<16xi32>
        %parallel_loop3A_95 = arith.constant 0 : i32
        %parallel_loop3A_96 = vector.broadcast %parallel_loop3A_95 : i32 to vector<16xi32>
        %parallel_loop3A_97 = tpu.vector_load_idx %arg5[%parallel_loop3A_94, %parallel_loop3A_96] : memref<256x32xf32, #tpu.memory_space<vmem>>[vector<16xi32>, vector<16xi32>], vector<16xf32>,
        %parallel_loop3A_98 = arith.constant 1 : i32
        %parallel_loop3A_99 = vector.broadcast %parallel_loop3A_98 : i32 to vector<16xi32>
        %parallel_loop3A_100 = tpu.vector_load_idx %arg5[%parallel_loop3A_94, %parallel_loop3A_99] : memref<256x32xf32, #tpu.memory_space<vmem>>[vector<16xi32>, vector<16xi32>], vector<16xf32>,
        %parallel_loop3A_101 = arith.constant 2 : i32
        %parallel_loop3A_102 = vector.broadcast %parallel_loop3A_101 : i32 to vector<16xi32>
        %parallel_loop3A_103 = tpu.vector_load_idx %arg5[%parallel_loop3A_94, %parallel_loop3A_102] : memref<256x32xf32, #tpu.memory_space<vmem>>[vector<16xi32>, vector<16xi32>], vector<16xf32>,
        %parallel_loop3A_104 = arith.constant 3 : i32
        %parallel_loop3A_105 = vector.broadcast %parallel_loop3A_104 : i32 to vector<16xi32>
        %parallel_loop3A_106 = tpu.vector_load_idx %arg5[%parallel_loop3A_94, %parallel_loop3A_105] : memref<256x32xf32, #tpu.memory_space<vmem>>[vector<16xi32>, vector<16xi32>], vector<16xf32>,
        %parallel_loop3A_107 = arith.constant 4 : i32
        %parallel_loop3A_108 = vector.broadcast %parallel_loop3A_107 : i32 to vector<16xi32>
        %parallel_loop3A_109 = tpu.vector_load_idx %arg5[%parallel_loop3A_94, %parallel_loop3A_108] : memref<256x32xf32, #tpu.memory_space<vmem>>[vector<16xi32>, vector<16xi32>], vector<16xf32>,
        %parallel_loop3A_110 = arith.constant 5 : i32
        %parallel_loop3A_111 = vector.broadcast %parallel_loop3A_110 : i32 to vector<16xi32>
        %parallel_loop3A_112 = tpu.vector_load_idx %arg5[%parallel_loop3A_94, %parallel_loop3A_111] : memref<256x32xf32, #tpu.memory_space<vmem>>[vector<16xi32>, vector<16xi32>], vector<16xf32>,
        %parallel_loop3A_113 = arith.constant 6 : i32
        %parallel_loop3A_114 = vector.broadcast %parallel_loop3A_113 : i32 to vector<16xi32>
        %parallel_loop3A_115 = tpu.vector_load_idx %arg5[%parallel_loop3A_94, %parallel_loop3A_114] : memref<256x32xf32, #tpu.memory_space<vmem>>[vector<16xi32>, vector<16xi32>], vector<16xf32>,
        %parallel_loop3A_116 = arith.constant 7 : i32
        %parallel_loop3A_117 = vector.broadcast %parallel_loop3A_116 : i32 to vector<16xi32>
        %parallel_loop3A_118 = tpu.vector_load_idx %arg5[%parallel_loop3A_94, %parallel_loop3A_117] : memref<256x32xf32, #tpu.memory_space<vmem>>[vector<16xi32>, vector<16xi32>], vector<16xf32>,
        %parallel_loop3A_119 = arith.constant 8 : i32
        %parallel_loop3A_120 = vector.broadcast %parallel_loop3A_119 : i32 to vector<16xi32>
        %parallel_loop3A_121 = tpu.vector_load_idx %arg5[%parallel_loop3A_94, %parallel_loop3A_120] : memref<256x32xf32, #tpu.memory_space<vmem>>[vector<16xi32>, vector<16xi32>], vector<16xf32>,
        %parallel_loop3A_122 = arith.constant 9 : i32
        %parallel_loop3A_123 = vector.broadcast %parallel_loop3A_122 : i32 to vector<16xi32>
        %parallel_loop3A_124 = tpu.vector_load_idx %arg5[%parallel_loop3A_94, %parallel_loop3A_123] : memref<256x32xf32, #tpu.memory_space<vmem>>[vector<16xi32>, vector<16xi32>], vector<16xf32>,
        %parallel_loop3A_125 = arith.constant 10 : i32
        %parallel_loop3A_126 = vector.broadcast %parallel_loop3A_125 : i32 to vector<16xi32>
        %parallel_loop3A_127 = tpu.vector_load_idx %arg5[%parallel_loop3A_94, %parallel_loop3A_126] : memref<256x32xf32, #tpu.memory_space<vmem>>[vector<16xi32>, vector<16xi32>], vector<16xf32>,
        %parallel_loop3A_128 = arith.constant 11 : i32
        %parallel_loop3A_129 = vector.broadcast %parallel_loop3A_128 : i32 to vector<16xi32>
        %parallel_loop3A_130 = tpu.vector_load_idx %arg5[%parallel_loop3A_94, %parallel_loop3A_129] : memref<256x32xf32, #tpu.memory_space<vmem>>[vector<16xi32>, vector<16xi32>], vector<16xf32>,
        %parallel_loop3A_131 = arith.constant 13 : i32
        %parallel_loop3A_132 = vector.broadcast %parallel_loop3A_131 : i32 to vector<16xi32>
        %parallel_loop3A_133 = tpu.vector_load_idx %arg5[%parallel_loop3A_94, %parallel_loop3A_132] : memref<256x32xf32, #tpu.memory_space<vmem>>[vector<16xi32>, vector<16xi32>], vector<16xf32>,
        %parallel_loop3A_134 = arith.constant 14 : i32
        %parallel_loop3A_135 = vector.broadcast %parallel_loop3A_134 : i32 to vector<16xi32>
        %parallel_loop3A_136 = tpu.vector_load_idx %arg5[%parallel_loop3A_94, %parallel_loop3A_135] : memref<256x32xf32, #tpu.memory_space<vmem>>[vector<16xi32>, vector<16xi32>], vector<16xf32>,
        %parallel_loop3A_137 = arith.constant 15 : i32
        %parallel_loop3A_138 = vector.broadcast %parallel_loop3A_137 : i32 to vector<16xi32>
        %parallel_loop3A_139 = tpu.vector_load_idx %arg5[%parallel_loop3A_94, %parallel_loop3A_138] : memref<256x32xf32, #tpu.memory_space<vmem>>[vector<16xi32>, vector<16xi32>], vector<16xf32>,
        %parallel_loop3A_140 = arith.constant 16 : i32
        %parallel_loop3A_141 = vector.broadcast %parallel_loop3A_140 : i32 to vector<16xi32>
        %parallel_loop3A_142 = tpu.vector_load_idx %arg5[%parallel_loop3A_94, %parallel_loop3A_141] : memref<256x32xf32, #tpu.memory_space<vmem>>[vector<16xi32>, vector<16xi32>], vector<16xf32>,
        %parallel_loop3A_143 = arith.constant 17 : i32
        %parallel_loop3A_144 = vector.broadcast %parallel_loop3A_143 : i32 to vector<16xi32>
        %parallel_loop3A_145 = tpu.vector_load_idx %arg5[%parallel_loop3A_94, %parallel_loop3A_144] : memref<256x32xf32, #tpu.memory_space<vmem>>[vector<16xi32>, vector<16xi32>], vector<16xf32>,
        %parallel_loop3A_146 = arith.constant 18 : i32
        %parallel_loop3A_147 = vector.broadcast %parallel_loop3A_146 : i32 to vector<16xi32>
        %parallel_loop3A_148 = tpu.vector_load_idx %arg5[%parallel_loop3A_94, %parallel_loop3A_147] : memref<256x32xf32, #tpu.memory_space<vmem>>[vector<16xi32>, vector<16xi32>], vector<16xf32>,
        %parallel_loop3A_149 = arith.constant 19 : i32
        %parallel_loop3A_150 = vector.broadcast %parallel_loop3A_149 : i32 to vector<16xi32>
        %parallel_loop3A_151 = tpu.vector_load_idx %arg5[%parallel_loop3A_94, %parallel_loop3A_150] : memref<256x32xf32, #tpu.memory_space<vmem>>[vector<16xi32>, vector<16xi32>], vector<16xf32>,
        %parallel_loop3A_152 = arith.constant 20 : i32
        %parallel_loop3A_153 = vector.broadcast %parallel_loop3A_152 : i32 to vector<16xi32>
        %parallel_loop3A_154 = tpu.vector_load_idx %arg5[%parallel_loop3A_94, %parallel_loop3A_153] : memref<256x32xf32, #tpu.memory_space<vmem>>[vector<16xi32>, vector<16xi32>], vector<16xf32>,
        %parallel_loop3A_155 = arith.constant 21 : i32
        %parallel_loop3A_156 = vector.broadcast %parallel_loop3A_155 : i32 to vector<16xi32>
        %parallel_loop3A_157 = tpu.vector_load_idx %arg5[%parallel_loop3A_94, %parallel_loop3A_156] : memref<256x32xf32, #tpu.memory_space<vmem>>[vector<16xi32>, vector<16xi32>], vector<16xf32>,
        %parallel_loop3A_158 = arith.constant 22 : i32
        %parallel_loop3A_159 = vector.broadcast %parallel_loop3A_158 : i32 to vector<16xi32>
        %parallel_loop3A_160 = tpu.vector_load_idx %arg5[%parallel_loop3A_94, %parallel_loop3A_159] : memref<256x32xf32, #tpu.memory_space<vmem>>[vector<16xi32>, vector<16xi32>], vector<16xf32>,
        %parallel_loop3A_161 = arith.constant 23 : i32
        %parallel_loop3A_162 = vector.broadcast %parallel_loop3A_161 : i32 to vector<16xi32>
        %parallel_loop3A_163 = tpu.vector_load_idx %arg5[%parallel_loop3A_94, %parallel_loop3A_162] : memref<256x32xf32, #tpu.memory_space<vmem>>[vector<16xi32>, vector<16xi32>], vector<16xf32>,
        %parallel_loop3A_164 = arith.constant 24 : i32
        %parallel_loop3A_165 = vector.broadcast %parallel_loop3A_164 : i32 to vector<16xi32>
        %parallel_loop3A_166 = tpu.vector_load_idx %arg5[%parallel_loop3A_94, %parallel_loop3A_165] : memref<256x32xf32, #tpu.memory_space<vmem>>[vector<16xi32>, vector<16xi32>], vector<16xf32>,
        %parallel_loop3A_167 = arith.constant 12 : i32
        %parallel_loop3A_168 = vector.broadcast %parallel_loop3A_167 : i32 to vector<16xi32>
        %parallel_loop3A_169 = tpu.vector_load_idx %arg5[%parallel_loop3A_94, %parallel_loop3A_168] : memref<256x32xf32, #tpu.memory_space<vmem>>[vector<16xi32>, vector<16xi32>], vector<16xf32>,
        %parallel_loop3A_170 = arith.constant 0.000000e+00 : f32
        %parallel_loop3A_171 = vector.broadcast %parallel_loop3A_170 : f32 to vector<16xf32>
        %parallel_loop3A_172 = arith.cmpf oge, %parallel_loop3A_169, %parallel_loop3A_171 : vector<16xf32>
        %parallel_loop3A_173 = arith.constant 5.000000e-01 : f32
        %parallel_loop3A_174 = arith.constant -5.000000e-01 : f32
        %parallel_loop3A_175 = vector.broadcast %parallel_loop3A_173 : f32 to vector<16xf32>
        %parallel_loop3A_176 = vector.broadcast %parallel_loop3A_174 : f32 to vector<16xf32>
        %parallel_loop3A_177 = arith.select %parallel_loop3A_172, %parallel_loop3A_175, %parallel_loop3A_176 : vector<16xi1>, vector<16xf32>
        %parallel_loop3A_178 = arith.addf %parallel_loop3A_169, %parallel_loop3A_177 : vector<16xf32>
        %parallel_loop3A_179 = arith.fptosi %parallel_loop3A_178 : vector<16xf32> to vector<16xi32>
        %parallel_loop3A_180 = arith.sitofp %parallel_loop3A_179 : vector<16xi32> to vector<16xf32>
        %parallel_loop3A_181 = arith.subf %parallel_loop3A_169, %parallel_loop3A_180 : vector<16xf32>
        %parallel_loop3A_182 = arith.constant 1.57079637 : f32
        %parallel_loop3A_183 = vector.broadcast %parallel_loop3A_182 : f32 to vector<16xf32>
        %parallel_loop3A_184 = arith.mulf %parallel_loop3A_181, %parallel_loop3A_183 : vector<16xf32>
        %parallel_loop3A_185 = arith.mulf %parallel_loop3A_184, %parallel_loop3A_184 : vector<16xf32>
        %parallel_loop3A_186 = arith.constant -1.98412701E-4 : f32
        %parallel_loop3A_187 = vector.broadcast %parallel_loop3A_186 : f32 to vector<16xf32>
        %parallel_loop3A_188 = arith.mulf %parallel_loop3A_185, %parallel_loop3A_187 : vector<16xf32>
        %parallel_loop3A_189 = arith.constant 0.00833333377 : f32
        %parallel_loop3A_190 = vector.broadcast %parallel_loop3A_189 : f32 to vector<16xf32>
        %parallel_loop3A_191 = arith.addf %parallel_loop3A_190, %parallel_loop3A_188 : vector<16xf32>
        %parallel_loop3A_192 = arith.mulf %parallel_loop3A_185, %parallel_loop3A_191 : vector<16xf32>
        %parallel_loop3A_193 = arith.constant -0.166666672 : f32
        %parallel_loop3A_194 = vector.broadcast %parallel_loop3A_193 : f32 to vector<16xf32>
        %parallel_loop3A_195 = arith.addf %parallel_loop3A_194, %parallel_loop3A_192 : vector<16xf32>
        %parallel_loop3A_196 = arith.mulf %parallel_loop3A_185, %parallel_loop3A_195 : vector<16xf32>
        %parallel_loop3A_197 = arith.constant 1.000000e+00 : f32
        %parallel_loop3A_198 = vector.broadcast %parallel_loop3A_197 : f32 to vector<16xf32>
        %parallel_loop3A_199 = arith.addf %parallel_loop3A_198, %parallel_loop3A_196 : vector<16xf32>
        %parallel_loop3A_200 = arith.mulf %parallel_loop3A_184, %parallel_loop3A_199 : vector<16xf32>
        %parallel_loop3A_201 = arith.constant -0.00138888892 : f32
        %parallel_loop3A_202 = vector.broadcast %parallel_loop3A_201 : f32 to vector<16xf32>
        %parallel_loop3A_203 = arith.mulf %parallel_loop3A_185, %parallel_loop3A_202 : vector<16xf32>
        %parallel_loop3A_204 = arith.constant 0.0416666679 : f32
        %parallel_loop3A_205 = vector.broadcast %parallel_loop3A_204 : f32 to vector<16xf32>
        %parallel_loop3A_206 = arith.addf %parallel_loop3A_205, %parallel_loop3A_203 : vector<16xf32>
        %parallel_loop3A_207 = arith.mulf %parallel_loop3A_185, %parallel_loop3A_206 : vector<16xf32>
        %parallel_loop3A_208 = arith.constant -5.000000e-01 : f32
        %parallel_loop3A_209 = vector.broadcast %parallel_loop3A_208 : f32 to vector<16xf32>
        %parallel_loop3A_210 = arith.addf %parallel_loop3A_209, %parallel_loop3A_207 : vector<16xf32>
        %parallel_loop3A_211 = arith.mulf %parallel_loop3A_185, %parallel_loop3A_210 : vector<16xf32>
        %parallel_loop3A_212 = arith.constant 1.000000e+00 : f32
        %parallel_loop3A_213 = vector.broadcast %parallel_loop3A_212 : f32 to vector<16xf32>
        %parallel_loop3A_214 = arith.addf %parallel_loop3A_213, %parallel_loop3A_211 : vector<16xf32>
        %parallel_loop3A_215 = arith.constant 3 : i32
        %parallel_loop3A_216 = vector.broadcast %parallel_loop3A_215 : i32 to vector<16xi32>
        %parallel_loop3A_217 = arith.andi %parallel_loop3A_179, %parallel_loop3A_216 : vector<16xi32>
        %parallel_loop3A_218 = arith.constant 0 : i32
        %parallel_loop3A_219 = vector.broadcast %parallel_loop3A_218 : i32 to vector<16xi32>
        %parallel_loop3A_220 = arith.cmpi eq, %parallel_loop3A_217, %parallel_loop3A_219 : vector<16xi32>
        %parallel_loop3A_221 = arith.constant 1 : i32
        %parallel_loop3A_222 = vector.broadcast %parallel_loop3A_221 : i32 to vector<16xi32>
        %parallel_loop3A_223 = arith.cmpi eq, %parallel_loop3A_217, %parallel_loop3A_222 : vector<16xi32>
        %parallel_loop3A_224 = arith.constant 0.000000e+00 : f32
        %parallel_loop3A_225 = vector.broadcast %parallel_loop3A_224 : f32 to vector<16xf32>
        %parallel_loop3A_226 = arith.subf %parallel_loop3A_225, %parallel_loop3A_200 : vector<16xf32>
        %parallel_loop3A_227 = arith.constant 2 : i32
        %parallel_loop3A_228 = vector.broadcast %parallel_loop3A_227 : i32 to vector<16xi32>
        %parallel_loop3A_229 = arith.cmpi eq, %parallel_loop3A_217, %parallel_loop3A_228 : vector<16xi32>
        %parallel_loop3A_230 = arith.constant 0.000000e+00 : f32
        %parallel_loop3A_231 = vector.broadcast %parallel_loop3A_230 : f32 to vector<16xf32>
        %parallel_loop3A_232 = arith.subf %parallel_loop3A_231, %parallel_loop3A_214 : vector<16xf32>
        %parallel_loop3A_233 = arith.select %parallel_loop3A_229, %parallel_loop3A_232, %parallel_loop3A_200 : vector<16xi1>, vector<16xf32>
        %parallel_loop3A_234 = arith.select %parallel_loop3A_223, %parallel_loop3A_226, %parallel_loop3A_233 : vector<16xi1>, vector<16xf32>
        %parallel_loop3A_235 = arith.select %parallel_loop3A_220, %parallel_loop3A_214, %parallel_loop3A_234 : vector<16xi1>, vector<16xf32>
        %parallel_loop3A_236 = arith.constant 0 : i32
        %parallel_loop3A_237 = vector.broadcast %parallel_loop3A_236 : i32 to vector<16xi32>
        %parallel_loop3A_238 = arith.cmpi eq, %parallel_loop3A_217, %parallel_loop3A_237 : vector<16xi32>
        %parallel_loop3A_239 = arith.constant 1 : i32
        %parallel_loop3A_240 = vector.broadcast %parallel_loop3A_239 : i32 to vector<16xi32>
        %parallel_loop3A_241 = arith.cmpi eq, %parallel_loop3A_217, %parallel_loop3A_240 : vector<16xi32>
        %parallel_loop3A_242 = arith.constant 2 : i32
        %parallel_loop3A_243 = vector.broadcast %parallel_loop3A_242 : i32 to vector<16xi32>
        %parallel_loop3A_244 = arith.cmpi eq, %parallel_loop3A_217, %parallel_loop3A_243 : vector<16xi32>
        %parallel_loop3A_245 = arith.constant 0.000000e+00 : f32
        %parallel_loop3A_246 = vector.broadcast %parallel_loop3A_245 : f32 to vector<16xf32>
        %parallel_loop3A_247 = arith.subf %parallel_loop3A_246, %parallel_loop3A_200 : vector<16xf32>
        %parallel_loop3A_248 = arith.constant 0.000000e+00 : f32
        %parallel_loop3A_249 = vector.broadcast %parallel_loop3A_248 : f32 to vector<16xf32>
        %parallel_loop3A_250 = arith.subf %parallel_loop3A_249, %parallel_loop3A_214 : vector<16xf32>
        %parallel_loop3A_251 = arith.select %parallel_loop3A_244, %parallel_loop3A_247, %parallel_loop3A_250 : vector<16xi1>, vector<16xf32>
        %parallel_loop3A_252 = arith.select %parallel_loop3A_241, %parallel_loop3A_214, %parallel_loop3A_251 : vector<16xi1>, vector<16xf32>
        %parallel_loop3A_253 = arith.select %parallel_loop3A_238, %parallel_loop3A_200, %parallel_loop3A_252 : vector<16xi1>, vector<16xf32>
        %parallel_loop3A_254 = arith.mulf %parallel_loop3A_235, %parallel_loop3A_97 : vector<16xf32>
        %parallel_loop3A_255 = arith.mulf %parallel_loop3A_253, %parallel_loop3A_100 : vector<16xf32>
        %parallel_loop3A_256 = arith.subf %parallel_loop3A_254, %parallel_loop3A_255 : vector<16xf32>
        %parallel_loop3A_257 = math.absf %parallel_loop3A_256 : vector<16xf32>
        %parallel_loop3A_258 = arith.mulf %parallel_loop3A_253, %parallel_loop3A_97 : vector<16xf32>
        %parallel_loop3A_259 = arith.mulf %parallel_loop3A_235, %parallel_loop3A_100 : vector<16xf32>
        %parallel_loop3A_260 = arith.addf %parallel_loop3A_258, %parallel_loop3A_259 : vector<16xf32>
        %parallel_loop3A_261 = math.absf %parallel_loop3A_260 : vector<16xf32>
        %parallel_loop3A_262 = math.absf %parallel_loop3A_103 : vector<16xf32>
        %parallel_loop3A_263 = arith.addf %parallel_loop3A_106, %parallel_loop3A_109 : vector<16xf32>
        %parallel_loop3A_264 = arith.addf %parallel_loop3A_263, %parallel_loop3A_112 : vector<16xf32>
        %parallel_loop3A_265 = math.absf %parallel_loop3A_264 : vector<16xf32>
        %parallel_loop3A_266 = arith.constant 0 : i32
        %parallel_loop3A_267 = vector.broadcast %parallel_loop3A_266 : i32 to vector<16xi32>
        %parallel_loop3A_268 = arith.cmpf ogt, %parallel_loop3A_261, %parallel_loop3A_257 : vector<16xf32>
        %parallel_loop3A_269 = arith.constant 1 : i32
        %parallel_loop3A_270 = vector.broadcast %parallel_loop3A_269 : i32 to vector<16xi32>
        %parallel_loop3A_271 = arith.select %parallel_loop3A_268, %parallel_loop3A_270, %parallel_loop3A_267 : vector<16xi1>, vector<16xi32>
        %parallel_loop3A_272 = arith.maximumf %parallel_loop3A_257, %parallel_loop3A_261 : vector<16xf32>
        %parallel_loop3A_273 = arith.cmpf ogt, %parallel_loop3A_262, %parallel_loop3A_272 : vector<16xf32>
        %parallel_loop3A_274 = arith.constant 2 : i32
        %parallel_loop3A_275 = vector.broadcast %parallel_loop3A_274 : i32 to vector<16xi32>
        %parallel_loop3A_276 = arith.select %parallel_loop3A_273, %parallel_loop3A_275, %parallel_loop3A_271 : vector<16xi1>, vector<16xi32>
        %parallel_loop3A_277 = arith.maximumf %parallel_loop3A_272, %parallel_loop3A_262 : vector<16xf32>
        %parallel_loop3A_278 = arith.cmpf ogt, %parallel_loop3A_265, %parallel_loop3A_277 : vector<16xf32>
        %parallel_loop3A_279 = arith.constant 3 : i32
        %parallel_loop3A_280 = vector.broadcast %parallel_loop3A_279 : i32 to vector<16xi32>
        %parallel_loop3A_281 = arith.select %parallel_loop3A_278, %parallel_loop3A_280, %parallel_loop3A_276 : vector<16xi1>, vector<16xi32>
        %parallel_loop3A_282 = arith.constant 0 : i32
        %parallel_loop3A_283 = vector.broadcast %parallel_loop3A_282 : i32 to vector<16xi32>
        %parallel_loop3A_284 = arith.cmpi eq, %parallel_loop3A_281, %parallel_loop3A_283 : vector<16xi32>
        %parallel_loop3A_285 = arith.constant 1 : i32
        %parallel_loop3A_286 = vector.broadcast %parallel_loop3A_285 : i32 to vector<16xi32>
        %parallel_loop3A_287 = arith.cmpi eq, %parallel_loop3A_281, %parallel_loop3A_286 : vector<16xi32>
        %parallel_loop3A_288 = arith.constant 2 : i32
        %parallel_loop3A_289 = vector.broadcast %parallel_loop3A_288 : i32 to vector<16xi32>
        %parallel_loop3A_290 = arith.cmpi eq, %parallel_loop3A_281, %parallel_loop3A_289 : vector<16xi32>
        %parallel_loop3A_291 = arith.constant 0.000000e+00 : f32
        %parallel_loop3A_292 = vector.broadcast %parallel_loop3A_291 : f32 to vector<16xf32>
        %parallel_loop3A_293 = arith.subf %parallel_loop3A_292, %parallel_loop3A_235 : vector<16xf32>
        %parallel_loop3A_294 = arith.constant 0.000000e+00 : f32
        %parallel_loop3A_295 = vector.broadcast %parallel_loop3A_294 : f32 to vector<16xf32>
        %parallel_loop3A_296 = arith.subf %parallel_loop3A_295, %parallel_loop3A_253 : vector<16xf32>
        %parallel_loop3A_297 = arith.select %parallel_loop3A_290, %parallel_loop3A_293, %parallel_loop3A_296 : vector<16xi1>, vector<16xf32>
        %parallel_loop3A_298 = arith.select %parallel_loop3A_287, %parallel_loop3A_253, %parallel_loop3A_297 : vector<16xi1>, vector<16xf32>
        %parallel_loop3A_299 = arith.select %parallel_loop3A_284, %parallel_loop3A_235, %parallel_loop3A_298 : vector<16xi1>, vector<16xf32>
        %parallel_loop3A_300 = arith.constant 0 : i32
        %parallel_loop3A_301 = vector.broadcast %parallel_loop3A_300 : i32 to vector<16xi32>
        %parallel_loop3A_302 = arith.cmpi eq, %parallel_loop3A_281, %parallel_loop3A_301 : vector<16xi32>
        %parallel_loop3A_303 = arith.constant 0.000000e+00 : f32
        %parallel_loop3A_304 = vector.broadcast %parallel_loop3A_303 : f32 to vector<16xf32>
        %parallel_loop3A_305 = arith.subf %parallel_loop3A_304, %parallel_loop3A_253 : vector<16xf32>
        %parallel_loop3A_306 = arith.constant 1 : i32
        %parallel_loop3A_307 = vector.broadcast %parallel_loop3A_306 : i32 to vector<16xi32>
        %parallel_loop3A_308 = arith.cmpi eq, %parallel_loop3A_281, %parallel_loop3A_307 : vector<16xi32>
        %parallel_loop3A_309 = arith.constant 2 : i32
        %parallel_loop3A_310 = vector.broadcast %parallel_loop3A_309 : i32 to vector<16xi32>
        %parallel_loop3A_311 = arith.cmpi eq, %parallel_loop3A_281, %parallel_loop3A_310 : vector<16xi32>
        %parallel_loop3A_312 = arith.constant 0.000000e+00 : f32
        %parallel_loop3A_313 = vector.broadcast %parallel_loop3A_312 : f32 to vector<16xf32>
        %parallel_loop3A_314 = arith.subf %parallel_loop3A_313, %parallel_loop3A_235 : vector<16xf32>
        %parallel_loop3A_315 = arith.select %parallel_loop3A_311, %parallel_loop3A_253, %parallel_loop3A_314 : vector<16xi1>, vector<16xf32>
        %parallel_loop3A_316 = arith.select %parallel_loop3A_308, %parallel_loop3A_235, %parallel_loop3A_315 : vector<16xi1>, vector<16xf32>
        %parallel_loop3A_317 = arith.select %parallel_loop3A_302, %parallel_loop3A_305, %parallel_loop3A_316 : vector<16xi1>, vector<16xf32>
        %parallel_loop3A_318 = arith.constant 16 : i32
        %parallel_loop3A_319 = arith.muli %parallel_loop3A_89, %parallel_loop3A_318 : i32
        %parallel_loop3A_320 = arith.index_cast %parallel_loop3A_319 : i32 to index
        %parallel_loop3A_321 = tpu.vector_load %arg7[%parallel_loop3A_320] {strides = array<i32>} : memref<256xi32, #tpu.memory_space<vmem>>, vector<16xi32>,
        %parallel_loop3A_322 = arith.constant 0 : i32
        %parallel_loop3A_323 = vector.broadcast %parallel_loop3A_322 : i32 to vector<16xi32>
        %parallel_loop3A_324 = arith.cmpi ne, %parallel_loop3A_321, %parallel_loop3A_323 : vector<16xi32>
        %parallel_loop3A_325 = arith.sitofp %parallel_loop3A_281 : vector<16xi32> to vector<16xf32>
        %parallel_loop3A_326 = arith.constant 12 : i32
        %parallel_loop3A_327 = vector.broadcast %parallel_loop3A_326 : i32 to vector<16xi32>
        tpu.vector_store_idx %arg5[%parallel_loop3A_94, %parallel_loop3A_327], %parallel_loop3A_325 masked %parallel_loop3A_324 : memref<256x32xf32, #tpu.memory_space<vmem>>[vector<16xi32>, vector<16xi32>], vector<16xf32>, vector<16xi1>
        %parallel_loop3A_328 = arith.mulf %parallel_loop3A_299, %parallel_loop3A_97 : vector<16xf32>
        %parallel_loop3A_329 = arith.mulf %parallel_loop3A_317, %parallel_loop3A_100 : vector<16xf32>
        %parallel_loop3A_330 = arith.subf %parallel_loop3A_328, %parallel_loop3A_329 : vector<16xf32>
        %parallel_loop3A_331 = arith.constant 0 : i32
        %parallel_loop3A_332 = vector.broadcast %parallel_loop3A_331 : i32 to vector<16xi32>
        tpu.vector_store_idx %arg5[%parallel_loop3A_94, %parallel_loop3A_332], %parallel_loop3A_330 masked %parallel_loop3A_324 : memref<256x32xf32, #tpu.memory_space<vmem>>[vector<16xi32>, vector<16xi32>], vector<16xf32>, vector<16xi1>
        %parallel_loop3A_333 = arith.mulf %parallel_loop3A_317, %parallel_loop3A_97 : vector<16xf32>
        %parallel_loop3A_334 = arith.mulf %parallel_loop3A_299, %parallel_loop3A_100 : vector<16xf32>
        %parallel_loop3A_335 = arith.addf %parallel_loop3A_333, %parallel_loop3A_334 : vector<16xf32>
        %parallel_loop3A_336 = arith.constant 1 : i32
        %parallel_loop3A_337 = vector.broadcast %parallel_loop3A_336 : i32 to vector<16xi32>
        tpu.vector_store_idx %arg5[%parallel_loop3A_94, %parallel_loop3A_337], %parallel_loop3A_335 masked %parallel_loop3A_324 : memref<256x32xf32, #tpu.memory_space<vmem>>[vector<16xi32>, vector<16xi32>], vector<16xf32>, vector<16xi1>
        %parallel_loop3A_338 = arith.mulf %parallel_loop3A_299, %parallel_loop3A_103 : vector<16xf32>
        %parallel_loop3A_339 = arith.mulf %parallel_loop3A_317, %parallel_loop3A_106 : vector<16xf32>
        %parallel_loop3A_340 = arith.subf %parallel_loop3A_338, %parallel_loop3A_339 : vector<16xf32>
        %parallel_loop3A_341 = arith.constant 2 : i32
        %parallel_loop3A_342 = vector.broadcast %parallel_loop3A_341 : i32 to vector<16xi32>
        tpu.vector_store_idx %arg5[%parallel_loop3A_94, %parallel_loop3A_342], %parallel_loop3A_340 masked %parallel_loop3A_324 : memref<256x32xf32, #tpu.memory_space<vmem>>[vector<16xi32>, vector<16xi32>], vector<16xf32>, vector<16xi1>
        %parallel_loop3A_343 = arith.mulf %parallel_loop3A_317, %parallel_loop3A_103 : vector<16xf32>
        %parallel_loop3A_344 = arith.mulf %parallel_loop3A_299, %parallel_loop3A_106 : vector<16xf32>
        %parallel_loop3A_345 = arith.addf %parallel_loop3A_343, %parallel_loop3A_344 : vector<16xf32>
        %parallel_loop3A_346 = arith.constant 3 : i32
        %parallel_loop3A_347 = vector.broadcast %parallel_loop3A_346 : i32 to vector<16xi32>
        tpu.vector_store_idx %arg5[%parallel_loop3A_94, %parallel_loop3A_347], %parallel_loop3A_345 masked %parallel_loop3A_324 : memref<256x32xf32, #tpu.memory_space<vmem>>[vector<16xi32>, vector<16xi32>], vector<16xf32>, vector<16xi1>
        %parallel_loop3A_348 = arith.mulf %parallel_loop3A_299, %parallel_loop3A_109 : vector<16xf32>
        %parallel_loop3A_349 = arith.mulf %parallel_loop3A_317, %parallel_loop3A_112 : vector<16xf32>
        %parallel_loop3A_350 = arith.subf %parallel_loop3A_348, %parallel_loop3A_349 : vector<16xf32>
        %parallel_loop3A_351 = arith.constant 4 : i32
        %parallel_loop3A_352 = vector.broadcast %parallel_loop3A_351 : i32 to vector<16xi32>
        tpu.vector_store_idx %arg5[%parallel_loop3A_94, %parallel_loop3A_352], %parallel_loop3A_350 masked %parallel_loop3A_324 : memref<256x32xf32, #tpu.memory_space<vmem>>[vector<16xi32>, vector<16xi32>], vector<16xf32>, vector<16xi1>
        %parallel_loop3A_353 = arith.mulf %parallel_loop3A_317, %parallel_loop3A_109 : vector<16xf32>
        %parallel_loop3A_354 = arith.mulf %parallel_loop3A_299, %parallel_loop3A_112 : vector<16xf32>
        %parallel_loop3A_355 = arith.addf %parallel_loop3A_353, %parallel_loop3A_354 : vector<16xf32>
        %parallel_loop3A_356 = arith.constant 5 : i32
        %parallel_loop3A_357 = vector.broadcast %parallel_loop3A_356 : i32 to vector<16xi32>
        tpu.vector_store_idx %arg5[%parallel_loop3A_94, %parallel_loop3A_357], %parallel_loop3A_355 masked %parallel_loop3A_324 : memref<256x32xf32, #tpu.memory_space<vmem>>[vector<16xi32>, vector<16xi32>], vector<16xf32>, vector<16xi1>
        %parallel_loop3A_358 = arith.mulf %parallel_loop3A_299, %parallel_loop3A_115 : vector<16xf32>
        %parallel_loop3A_359 = arith.mulf %parallel_loop3A_317, %parallel_loop3A_118 : vector<16xf32>
        %parallel_loop3A_360 = arith.subf %parallel_loop3A_358, %parallel_loop3A_359 : vector<16xf32>
        %parallel_loop3A_361 = arith.constant 6 : i32
        %parallel_loop3A_362 = vector.broadcast %parallel_loop3A_361 : i32 to vector<16xi32>
        tpu.vector_store_idx %arg5[%parallel_loop3A_94, %parallel_loop3A_362], %parallel_loop3A_360 masked %parallel_loop3A_324 : memref<256x32xf32, #tpu.memory_space<vmem>>[vector<16xi32>, vector<16xi32>], vector<16xf32>, vector<16xi1>
        %parallel_loop3A_363 = arith.mulf %parallel_loop3A_317, %parallel_loop3A_115 : vector<16xf32>
        %parallel_loop3A_364 = arith.mulf %parallel_loop3A_299, %parallel_loop3A_118 : vector<16xf32>
        %parallel_loop3A_365 = arith.addf %parallel_loop3A_363, %parallel_loop3A_364 : vector<16xf32>
        %parallel_loop3A_366 = arith.constant 7 : i32
        %parallel_loop3A_367 = vector.broadcast %parallel_loop3A_366 : i32 to vector<16xi32>
        tpu.vector_store_idx %arg5[%parallel_loop3A_94, %parallel_loop3A_367], %parallel_loop3A_365 masked %parallel_loop3A_324 : memref<256x32xf32, #tpu.memory_space<vmem>>[vector<16xi32>, vector<16xi32>], vector<16xf32>, vector<16xi1>
        %parallel_loop3A_368 = arith.mulf %parallel_loop3A_299, %parallel_loop3A_121 : vector<16xf32>
        %parallel_loop3A_369 = arith.mulf %parallel_loop3A_317, %parallel_loop3A_124 : vector<16xf32>
        %parallel_loop3A_370 = arith.subf %parallel_loop3A_368, %parallel_loop3A_369 : vector<16xf32>
        %parallel_loop3A_371 = arith.constant 8 : i32
        %parallel_loop3A_372 = vector.broadcast %parallel_loop3A_371 : i32 to vector<16xi32>
        tpu.vector_store_idx %arg5[%parallel_loop3A_94, %parallel_loop3A_372], %parallel_loop3A_370 masked %parallel_loop3A_324 : memref<256x32xf32, #tpu.memory_space<vmem>>[vector<16xi32>, vector<16xi32>], vector<16xf32>, vector<16xi1>
        %parallel_loop3A_373 = arith.mulf %parallel_loop3A_317, %parallel_loop3A_121 : vector<16xf32>
        %parallel_loop3A_374 = arith.mulf %parallel_loop3A_299, %parallel_loop3A_124 : vector<16xf32>
        %parallel_loop3A_375 = arith.addf %parallel_loop3A_373, %parallel_loop3A_374 : vector<16xf32>
        %parallel_loop3A_376 = arith.constant 9 : i32
        %parallel_loop3A_377 = vector.broadcast %parallel_loop3A_376 : i32 to vector<16xi32>
        tpu.vector_store_idx %arg5[%parallel_loop3A_94, %parallel_loop3A_377], %parallel_loop3A_375 masked %parallel_loop3A_324 : memref<256x32xf32, #tpu.memory_space<vmem>>[vector<16xi32>, vector<16xi32>], vector<16xf32>, vector<16xi1>
        %parallel_loop3A_378 = arith.mulf %parallel_loop3A_299, %parallel_loop3A_127 : vector<16xf32>
        %parallel_loop3A_379 = arith.mulf %parallel_loop3A_317, %parallel_loop3A_130 : vector<16xf32>
        %parallel_loop3A_380 = arith.subf %parallel_loop3A_378, %parallel_loop3A_379 : vector<16xf32>
        %parallel_loop3A_381 = arith.constant 10 : i32
        %parallel_loop3A_382 = vector.broadcast %parallel_loop3A_381 : i32 to vector<16xi32>
        tpu.vector_store_idx %arg5[%parallel_loop3A_94, %parallel_loop3A_382], %parallel_loop3A_380 masked %parallel_loop3A_324 : memref<256x32xf32, #tpu.memory_space<vmem>>[vector<16xi32>, vector<16xi32>], vector<16xf32>, vector<16xi1>
        %parallel_loop3A_383 = arith.mulf %parallel_loop3A_317, %parallel_loop3A_127 : vector<16xf32>
        %parallel_loop3A_384 = arith.mulf %parallel_loop3A_299, %parallel_loop3A_130 : vector<16xf32>
        %parallel_loop3A_385 = arith.addf %parallel_loop3A_383, %parallel_loop3A_384 : vector<16xf32>
        %parallel_loop3A_386 = arith.constant 11 : i32
        %parallel_loop3A_387 = vector.broadcast %parallel_loop3A_386 : i32 to vector<16xi32>
        tpu.vector_store_idx %arg5[%parallel_loop3A_94, %parallel_loop3A_387], %parallel_loop3A_385 masked %parallel_loop3A_324 : memref<256x32xf32, #tpu.memory_space<vmem>>[vector<16xi32>, vector<16xi32>], vector<16xf32>, vector<16xi1>
        %parallel_loop3A_388 = arith.mulf %parallel_loop3A_299, %parallel_loop3A_133 : vector<16xf32>
        %parallel_loop3A_389 = arith.mulf %parallel_loop3A_317, %parallel_loop3A_136 : vector<16xf32>
        %parallel_loop3A_390 = arith.subf %parallel_loop3A_388, %parallel_loop3A_389 : vector<16xf32>
        %parallel_loop3A_391 = arith.constant 13 : i32
        %parallel_loop3A_392 = vector.broadcast %parallel_loop3A_391 : i32 to vector<16xi32>
        tpu.vector_store_idx %arg5[%parallel_loop3A_94, %parallel_loop3A_392], %parallel_loop3A_390 masked %parallel_loop3A_324 : memref<256x32xf32, #tpu.memory_space<vmem>>[vector<16xi32>, vector<16xi32>], vector<16xf32>, vector<16xi1>
        %parallel_loop3A_393 = arith.mulf %parallel_loop3A_317, %parallel_loop3A_133 : vector<16xf32>
        %parallel_loop3A_394 = arith.mulf %parallel_loop3A_299, %parallel_loop3A_136 : vector<16xf32>
        %parallel_loop3A_395 = arith.addf %parallel_loop3A_393, %parallel_loop3A_394 : vector<16xf32>
        %parallel_loop3A_396 = arith.constant 14 : i32
        %parallel_loop3A_397 = vector.broadcast %parallel_loop3A_396 : i32 to vector<16xi32>
        tpu.vector_store_idx %arg5[%parallel_loop3A_94, %parallel_loop3A_397], %parallel_loop3A_395 masked %parallel_loop3A_324 : memref<256x32xf32, #tpu.memory_space<vmem>>[vector<16xi32>, vector<16xi32>], vector<16xf32>, vector<16xi1>
        %parallel_loop3A_398 = arith.mulf %parallel_loop3A_299, %parallel_loop3A_139 : vector<16xf32>
        %parallel_loop3A_399 = arith.mulf %parallel_loop3A_317, %parallel_loop3A_142 : vector<16xf32>
        %parallel_loop3A_400 = arith.subf %parallel_loop3A_398, %parallel_loop3A_399 : vector<16xf32>
        %parallel_loop3A_401 = arith.constant 15 : i32
        %parallel_loop3A_402 = vector.broadcast %parallel_loop3A_401 : i32 to vector<16xi32>
        tpu.vector_store_idx %arg5[%parallel_loop3A_94, %parallel_loop3A_402], %parallel_loop3A_400 masked %parallel_loop3A_324 : memref<256x32xf32, #tpu.memory_space<vmem>>[vector<16xi32>, vector<16xi32>], vector<16xf32>, vector<16xi1>
        %parallel_loop3A_403 = arith.mulf %parallel_loop3A_317, %parallel_loop3A_139 : vector<16xf32>
        %parallel_loop3A_404 = arith.mulf %parallel_loop3A_299, %parallel_loop3A_142 : vector<16xf32>
        %parallel_loop3A_405 = arith.addf %parallel_loop3A_403, %parallel_loop3A_404 : vector<16xf32>
        %parallel_loop3A_406 = arith.constant 16 : i32
        %parallel_loop3A_407 = vector.broadcast %parallel_loop3A_406 : i32 to vector<16xi32>
        tpu.vector_store_idx %arg5[%parallel_loop3A_94, %parallel_loop3A_407], %parallel_loop3A_405 masked %parallel_loop3A_324 : memref<256x32xf32, #tpu.memory_space<vmem>>[vector<16xi32>, vector<16xi32>], vector<16xf32>, vector<16xi1>
        %parallel_loop3A_408 = arith.mulf %parallel_loop3A_299, %parallel_loop3A_145 : vector<16xf32>
        %parallel_loop3A_409 = arith.mulf %parallel_loop3A_317, %parallel_loop3A_148 : vector<16xf32>
        %parallel_loop3A_410 = arith.subf %parallel_loop3A_408, %parallel_loop3A_409 : vector<16xf32>
        %parallel_loop3A_411 = arith.constant 17 : i32
        %parallel_loop3A_412 = vector.broadcast %parallel_loop3A_411 : i32 to vector<16xi32>
        tpu.vector_store_idx %arg5[%parallel_loop3A_94, %parallel_loop3A_412], %parallel_loop3A_410 masked %parallel_loop3A_324 : memref<256x32xf32, #tpu.memory_space<vmem>>[vector<16xi32>, vector<16xi32>], vector<16xf32>, vector<16xi1>
        %parallel_loop3A_413 = arith.mulf %parallel_loop3A_317, %parallel_loop3A_145 : vector<16xf32>
        %parallel_loop3A_414 = arith.mulf %parallel_loop3A_299, %parallel_loop3A_148 : vector<16xf32>
        %parallel_loop3A_415 = arith.addf %parallel_loop3A_413, %parallel_loop3A_414 : vector<16xf32>
        %parallel_loop3A_416 = arith.constant 18 : i32
        %parallel_loop3A_417 = vector.broadcast %parallel_loop3A_416 : i32 to vector<16xi32>
        tpu.vector_store_idx %arg5[%parallel_loop3A_94, %parallel_loop3A_417], %parallel_loop3A_415 masked %parallel_loop3A_324 : memref<256x32xf32, #tpu.memory_space<vmem>>[vector<16xi32>, vector<16xi32>], vector<16xf32>, vector<16xi1>
        %parallel_loop3A_418 = arith.mulf %parallel_loop3A_299, %parallel_loop3A_151 : vector<16xf32>
        %parallel_loop3A_419 = arith.mulf %parallel_loop3A_317, %parallel_loop3A_154 : vector<16xf32>
        %parallel_loop3A_420 = arith.subf %parallel_loop3A_418, %parallel_loop3A_419 : vector<16xf32>
        %parallel_loop3A_421 = arith.constant 19 : i32
        %parallel_loop3A_422 = vector.broadcast %parallel_loop3A_421 : i32 to vector<16xi32>
        tpu.vector_store_idx %arg5[%parallel_loop3A_94, %parallel_loop3A_422], %parallel_loop3A_420 masked %parallel_loop3A_324 : memref<256x32xf32, #tpu.memory_space<vmem>>[vector<16xi32>, vector<16xi32>], vector<16xf32>, vector<16xi1>
        %parallel_loop3A_423 = arith.mulf %parallel_loop3A_317, %parallel_loop3A_151 : vector<16xf32>
        %parallel_loop3A_424 = arith.mulf %parallel_loop3A_299, %parallel_loop3A_154 : vector<16xf32>
        %parallel_loop3A_425 = arith.addf %parallel_loop3A_423, %parallel_loop3A_424 : vector<16xf32>
        %parallel_loop3A_426 = arith.constant 20 : i32
        %parallel_loop3A_427 = vector.broadcast %parallel_loop3A_426 : i32 to vector<16xi32>
        tpu.vector_store_idx %arg5[%parallel_loop3A_94, %parallel_loop3A_427], %parallel_loop3A_425 masked %parallel_loop3A_324 : memref<256x32xf32, #tpu.memory_space<vmem>>[vector<16xi32>, vector<16xi32>], vector<16xf32>, vector<16xi1>
        %parallel_loop3A_428 = arith.mulf %parallel_loop3A_299, %parallel_loop3A_157 : vector<16xf32>
        %parallel_loop3A_429 = arith.mulf %parallel_loop3A_317, %parallel_loop3A_160 : vector<16xf32>
        %parallel_loop3A_430 = arith.subf %parallel_loop3A_428, %parallel_loop3A_429 : vector<16xf32>
        %parallel_loop3A_431 = arith.constant 21 : i32
        %parallel_loop3A_432 = vector.broadcast %parallel_loop3A_431 : i32 to vector<16xi32>
        tpu.vector_store_idx %arg5[%parallel_loop3A_94, %parallel_loop3A_432], %parallel_loop3A_430 masked %parallel_loop3A_324 : memref<256x32xf32, #tpu.memory_space<vmem>>[vector<16xi32>, vector<16xi32>], vector<16xf32>, vector<16xi1>
        %parallel_loop3A_433 = arith.mulf %parallel_loop3A_317, %parallel_loop3A_157 : vector<16xf32>
        %parallel_loop3A_434 = arith.mulf %parallel_loop3A_299, %parallel_loop3A_160 : vector<16xf32>
        %parallel_loop3A_435 = arith.addf %parallel_loop3A_433, %parallel_loop3A_434 : vector<16xf32>
        %parallel_loop3A_436 = arith.constant 22 : i32
        %parallel_loop3A_437 = vector.broadcast %parallel_loop3A_436 : i32 to vector<16xi32>
        tpu.vector_store_idx %arg5[%parallel_loop3A_94, %parallel_loop3A_437], %parallel_loop3A_435 masked %parallel_loop3A_324 : memref<256x32xf32, #tpu.memory_space<vmem>>[vector<16xi32>, vector<16xi32>], vector<16xf32>, vector<16xi1>
        %parallel_loop3A_438 = arith.mulf %parallel_loop3A_299, %parallel_loop3A_163 : vector<16xf32>
        %parallel_loop3A_439 = arith.mulf %parallel_loop3A_317, %parallel_loop3A_166 : vector<16xf32>
        %parallel_loop3A_440 = arith.subf %parallel_loop3A_438, %parallel_loop3A_439 : vector<16xf32>
        %parallel_loop3A_441 = arith.constant 23 : i32
        %parallel_loop3A_442 = vector.broadcast %parallel_loop3A_441 : i32 to vector<16xi32>
        tpu.vector_store_idx %arg5[%parallel_loop3A_94, %parallel_loop3A_442], %parallel_loop3A_440 masked %parallel_loop3A_324 : memref<256x32xf32, #tpu.memory_space<vmem>>[vector<16xi32>, vector<16xi32>], vector<16xf32>, vector<16xi1>
        %parallel_loop3A_443 = arith.mulf %parallel_loop3A_317, %parallel_loop3A_163 : vector<16xf32>
        %parallel_loop3A_444 = arith.mulf %parallel_loop3A_299, %parallel_loop3A_166 : vector<16xf32>
        %parallel_loop3A_445 = arith.addf %parallel_loop3A_443, %parallel_loop3A_444 : vector<16xf32>
        %parallel_loop3A_446 = arith.constant 24 : i32
        %parallel_loop3A_447 = vector.broadcast %parallel_loop3A_446 : i32 to vector<16xi32>
        tpu.vector_store_idx %arg5[%parallel_loop3A_94, %parallel_loop3A_447], %parallel_loop3A_445 masked %parallel_loop3A_324 : memref<256x32xf32, #tpu.memory_space<vmem>>[vector<16xi32>, vector<16xi32>], vector<16xf32>, vector<16xi1>
      } {sc.loop_unroll_factor = 4 : i64, sc.parallel_access}
      %mul3A_48 = arith.constant 256 : i32
      %mul3A_49 = arith.muli %mul3A_22, %mul3A_48 : i32
      %add3A_50 = arith.addi %mul3A_2, %mul3A_49 : i32
      %dma_start3A_51 = arith.constant 0 : i32
      %dma_start3A_52 = tpu.memref_slice %arg4[%add3A_50, %dma_start3A_51] : memref<1048576x32xf32, #tpu.memory_space<hbm>> -> memref<256x32xf32, #tpu.memory_space<hbm>>
      %dma_start3A_53 = arith.constant 0 : i32
      %dma_start3A_54 = tpu.memref_slice %arg4[%add3A_50, %dma_start3A_53] : memref<1048576x32xf32, #tpu.memory_space<hbm>> -> memref<256x32xf32, #tpu.memory_space<hbm>>
      tpu.enqueue_dma source(%arg5 : memref<256x32xf32, #tpu.memory_space<vmem>>) target(%dma_start3A_54 : memref<256x32xf32, #tpu.memory_space<hbm>>) target_semaphore(%arg11 : memref<!tpu.dma_semaphore, #tpu.memory_space<semaphore_mem>>)
      %dma_wait3A_55 = arith.constant 0 : i32
      %dma_wait3A_56 = arith.constant 0 : i32
      %dma_wait3A_57 = tpu.memref_slice %arg2[%dma_wait3A_55, %dma_wait3A_56] : memref<1048576x32xf32, #tpu.memory_space<hbm>> -> memref<256x32xf32, #tpu.memory_space<hbm>>
      %dma_wait3A_58 = arith.constant 0 : i32
      %dma_wait3A_59 = arith.constant 0 : i32
      %dma_wait3A_60 = tpu.memref_slice %arg2[%dma_wait3A_58, %dma_wait3A_59] : memref<1048576x32xf32, #tpu.memory_space<hbm>> -> memref<256x32xf32, #tpu.memory_space<hbm>>
      tpu.wait_dma2 semaphore(%arg10 : memref<!tpu.dma_semaphore, #tpu.memory_space<semaphore_mem>>) src(%dma_wait3A_60 : memref<256x32xf32, #tpu.memory_space<hbm>>) dst(%arg6 : memref<256x32xf32, #tpu.memory_space<vmem>>)
      %dma_wait3A_61 = arith.constant 0 : i32
      %dma_wait3A_62 = tpu.memref_slice %arg3[%dma_wait3A_61] : memref<1048576xi32, #tpu.memory_space<hbm>> -> memref<256xi32, #tpu.memory_space<hbm>>
      %dma_wait3A_63 = arith.constant 0 : i32
      %dma_wait3A_64 = tpu.memref_slice %arg3[%dma_wait3A_63] : memref<1048576xi32, #tpu.memory_space<hbm>> -> memref<256xi32, #tpu.memory_space<hbm>>
      tpu.wait_dma2 semaphore(%arg10 : memref<!tpu.dma_semaphore, #tpu.memory_space<semaphore_mem>>) src(%dma_wait3A_64 : memref<256xi32, #tpu.memory_space<hbm>>) dst(%arg8 : memref<256xi32, #tpu.memory_space<vmem>>)
      %parallel_loop3A_65 = arith.constant 0 : i32
      %parallel_loop3A_66 = arith.constant 16 : i32
      %parallel_loop3A_67 = arith.constant 1 : i32
      scf.for %parallel_loop3A_89 = %parallel_loop3A_65 to %parallel_loop3A_66 step %parallel_loop3A_67  : i32 {
        %parallel_loop3A_90 = arith.constant 16 : i32
        %parallel_loop3A_91 = arith.muli %parallel_loop3A_89, %parallel_loop3A_90 : i32
        %parallel_loop3A_92 = tpu.iota {dimensions = array<i32: 0>} : vector<16xi32>
        %parallel_loop3A_93 = vector.broadcast %parallel_loop3A_91 : i32 to vector<16xi32>
        %parallel_loop3A_94 = arith.addi %parallel_loop3A_93, %parallel_loop3A_92 : vector<16xi32>
        %parallel_loop3A_95 = arith.constant 0 : i32
        %parallel_loop3A_96 = vector.broadcast %parallel_loop3A_95 : i32 to vector<16xi32>
        %parallel_loop3A_97 = tpu.vector_load_idx %arg6[%parallel_loop3A_94, %parallel_loop3A_96] : memref<256x32xf32, #tpu.memory_space<vmem>>[vector<16xi32>, vector<16xi32>], vector<16xf32>,
        %parallel_loop3A_98 = arith.constant 1 : i32
        %parallel_loop3A_99 = vector.broadcast %parallel_loop3A_98 : i32 to vector<16xi32>
        %parallel_loop3A_100 = tpu.vector_load_idx %arg6[%parallel_loop3A_94, %parallel_loop3A_99] : memref<256x32xf32, #tpu.memory_space<vmem>>[vector<16xi32>, vector<16xi32>], vector<16xf32>,
        %parallel_loop3A_101 = arith.constant 2 : i32
        %parallel_loop3A_102 = vector.broadcast %parallel_loop3A_101 : i32 to vector<16xi32>
        %parallel_loop3A_103 = tpu.vector_load_idx %arg6[%parallel_loop3A_94, %parallel_loop3A_102] : memref<256x32xf32, #tpu.memory_space<vmem>>[vector<16xi32>, vector<16xi32>], vector<16xf32>,
        %parallel_loop3A_104 = arith.constant 3 : i32
        %parallel_loop3A_105 = vector.broadcast %parallel_loop3A_104 : i32 to vector<16xi32>
        %parallel_loop3A_106 = tpu.vector_load_idx %arg6[%parallel_loop3A_94, %parallel_loop3A_105] : memref<256x32xf32, #tpu.memory_space<vmem>>[vector<16xi32>, vector<16xi32>], vector<16xf32>,
        %parallel_loop3A_107 = arith.constant 4 : i32
        %parallel_loop3A_108 = vector.broadcast %parallel_loop3A_107 : i32 to vector<16xi32>
        %parallel_loop3A_109 = tpu.vector_load_idx %arg6[%parallel_loop3A_94, %parallel_loop3A_108] : memref<256x32xf32, #tpu.memory_space<vmem>>[vector<16xi32>, vector<16xi32>], vector<16xf32>,
        %parallel_loop3A_110 = arith.constant 5 : i32
        %parallel_loop3A_111 = vector.broadcast %parallel_loop3A_110 : i32 to vector<16xi32>
        %parallel_loop3A_112 = tpu.vector_load_idx %arg6[%parallel_loop3A_94, %parallel_loop3A_111] : memref<256x32xf32, #tpu.memory_space<vmem>>[vector<16xi32>, vector<16xi32>], vector<16xf32>,
        %parallel_loop3A_113 = arith.constant 6 : i32
        %parallel_loop3A_114 = vector.broadcast %parallel_loop3A_113 : i32 to vector<16xi32>
        %parallel_loop3A_115 = tpu.vector_load_idx %arg6[%parallel_loop3A_94, %parallel_loop3A_114] : memref<256x32xf32, #tpu.memory_space<vmem>>[vector<16xi32>, vector<16xi32>], vector<16xf32>,
        %parallel_loop3A_116 = arith.constant 7 : i32
        %parallel_loop3A_117 = vector.broadcast %parallel_loop3A_116 : i32 to vector<16xi32>
        %parallel_loop3A_118 = tpu.vector_load_idx %arg6[%parallel_loop3A_94, %parallel_loop3A_117] : memref<256x32xf32, #tpu.memory_space<vmem>>[vector<16xi32>, vector<16xi32>], vector<16xf32>,
        %parallel_loop3A_119 = arith.constant 8 : i32
        %parallel_loop3A_120 = vector.broadcast %parallel_loop3A_119 : i32 to vector<16xi32>
        %parallel_loop3A_121 = tpu.vector_load_idx %arg6[%parallel_loop3A_94, %parallel_loop3A_120] : memref<256x32xf32, #tpu.memory_space<vmem>>[vector<16xi32>, vector<16xi32>], vector<16xf32>,
        %parallel_loop3A_122 = arith.constant 9 : i32
        %parallel_loop3A_123 = vector.broadcast %parallel_loop3A_122 : i32 to vector<16xi32>
        %parallel_loop3A_124 = tpu.vector_load_idx %arg6[%parallel_loop3A_94, %parallel_loop3A_123] : memref<256x32xf32, #tpu.memory_space<vmem>>[vector<16xi32>, vector<16xi32>], vector<16xf32>,
        %parallel_loop3A_125 = arith.constant 10 : i32
        %parallel_loop3A_126 = vector.broadcast %parallel_loop3A_125 : i32 to vector<16xi32>
        %parallel_loop3A_127 = tpu.vector_load_idx %arg6[%parallel_loop3A_94, %parallel_loop3A_126] : memref<256x32xf32, #tpu.memory_space<vmem>>[vector<16xi32>, vector<16xi32>], vector<16xf32>,
        %parallel_loop3A_128 = arith.constant 11 : i32
        %parallel_loop3A_129 = vector.broadcast %parallel_loop3A_128 : i32 to vector<16xi32>
        %parallel_loop3A_130 = tpu.vector_load_idx %arg6[%parallel_loop3A_94, %parallel_loop3A_129] : memref<256x32xf32, #tpu.memory_space<vmem>>[vector<16xi32>, vector<16xi32>], vector<16xf32>,
        %parallel_loop3A_131 = arith.constant 13 : i32
        %parallel_loop3A_132 = vector.broadcast %parallel_loop3A_131 : i32 to vector<16xi32>
        %parallel_loop3A_133 = tpu.vector_load_idx %arg6[%parallel_loop3A_94, %parallel_loop3A_132] : memref<256x32xf32, #tpu.memory_space<vmem>>[vector<16xi32>, vector<16xi32>], vector<16xf32>,
        %parallel_loop3A_134 = arith.constant 14 : i32
        %parallel_loop3A_135 = vector.broadcast %parallel_loop3A_134 : i32 to vector<16xi32>
        %parallel_loop3A_136 = tpu.vector_load_idx %arg6[%parallel_loop3A_94, %parallel_loop3A_135] : memref<256x32xf32, #tpu.memory_space<vmem>>[vector<16xi32>, vector<16xi32>], vector<16xf32>,
        %parallel_loop3A_137 = arith.constant 15 : i32
        %parallel_loop3A_138 = vector.broadcast %parallel_loop3A_137 : i32 to vector<16xi32>
        %parallel_loop3A_139 = tpu.vector_load_idx %arg6[%parallel_loop3A_94, %parallel_loop3A_138] : memref<256x32xf32, #tpu.memory_space<vmem>>[vector<16xi32>, vector<16xi32>], vector<16xf32>,
        %parallel_loop3A_140 = arith.constant 16 : i32
        %parallel_loop3A_141 = vector.broadcast %parallel_loop3A_140 : i32 to vector<16xi32>
        %parallel_loop3A_142 = tpu.vector_load_idx %arg6[%parallel_loop3A_94, %parallel_loop3A_141] : memref<256x32xf32, #tpu.memory_space<vmem>>[vector<16xi32>, vector<16xi32>], vector<16xf32>,
        %parallel_loop3A_143 = arith.constant 17 : i32
        %parallel_loop3A_144 = vector.broadcast %parallel_loop3A_143 : i32 to vector<16xi32>
        %parallel_loop3A_145 = tpu.vector_load_idx %arg6[%parallel_loop3A_94, %parallel_loop3A_144] : memref<256x32xf32, #tpu.memory_space<vmem>>[vector<16xi32>, vector<16xi32>], vector<16xf32>,
        %parallel_loop3A_146 = arith.constant 18 : i32
        %parallel_loop3A_147 = vector.broadcast %parallel_loop3A_146 : i32 to vector<16xi32>
        %parallel_loop3A_148 = tpu.vector_load_idx %arg6[%parallel_loop3A_94, %parallel_loop3A_147] : memref<256x32xf32, #tpu.memory_space<vmem>>[vector<16xi32>, vector<16xi32>], vector<16xf32>,
        %parallel_loop3A_149 = arith.constant 19 : i32
        %parallel_loop3A_150 = vector.broadcast %parallel_loop3A_149 : i32 to vector<16xi32>
        %parallel_loop3A_151 = tpu.vector_load_idx %arg6[%parallel_loop3A_94, %parallel_loop3A_150] : memref<256x32xf32, #tpu.memory_space<vmem>>[vector<16xi32>, vector<16xi32>], vector<16xf32>,
        %parallel_loop3A_152 = arith.constant 20 : i32
        %parallel_loop3A_153 = vector.broadcast %parallel_loop3A_152 : i32 to vector<16xi32>
        %parallel_loop3A_154 = tpu.vector_load_idx %arg6[%parallel_loop3A_94, %parallel_loop3A_153] : memref<256x32xf32, #tpu.memory_space<vmem>>[vector<16xi32>, vector<16xi32>], vector<16xf32>,
        %parallel_loop3A_155 = arith.constant 21 : i32
        %parallel_loop3A_156 = vector.broadcast %parallel_loop3A_155 : i32 to vector<16xi32>
        %parallel_loop3A_157 = tpu.vector_load_idx %arg6[%parallel_loop3A_94, %parallel_loop3A_156] : memref<256x32xf32, #tpu.memory_space<vmem>>[vector<16xi32>, vector<16xi32>], vector<16xf32>,
        %parallel_loop3A_158 = arith.constant 22 : i32
        %parallel_loop3A_159 = vector.broadcast %parallel_loop3A_158 : i32 to vector<16xi32>
        %parallel_loop3A_160 = tpu.vector_load_idx %arg6[%parallel_loop3A_94, %parallel_loop3A_159] : memref<256x32xf32, #tpu.memory_space<vmem>>[vector<16xi32>, vector<16xi32>], vector<16xf32>,
        %parallel_loop3A_161 = arith.constant 23 : i32
        %parallel_loop3A_162 = vector.broadcast %parallel_loop3A_161 : i32 to vector<16xi32>
        %parallel_loop3A_163 = tpu.vector_load_idx %arg6[%parallel_loop3A_94, %parallel_loop3A_162] : memref<256x32xf32, #tpu.memory_space<vmem>>[vector<16xi32>, vector<16xi32>], vector<16xf32>,
        %parallel_loop3A_164 = arith.constant 24 : i32
        %parallel_loop3A_165 = vector.broadcast %parallel_loop3A_164 : i32 to vector<16xi32>
        %parallel_loop3A_166 = tpu.vector_load_idx %arg6[%parallel_loop3A_94, %parallel_loop3A_165] : memref<256x32xf32, #tpu.memory_space<vmem>>[vector<16xi32>, vector<16xi32>], vector<16xf32>,
        %parallel_loop3A_167 = arith.constant 12 : i32
        %parallel_loop3A_168 = vector.broadcast %parallel_loop3A_167 : i32 to vector<16xi32>
        %parallel_loop3A_169 = tpu.vector_load_idx %arg6[%parallel_loop3A_94, %parallel_loop3A_168] : memref<256x32xf32, #tpu.memory_space<vmem>>[vector<16xi32>, vector<16xi32>], vector<16xf32>,
        %parallel_loop3A_170 = arith.constant 0.000000e+00 : f32
        %parallel_loop3A_171 = vector.broadcast %parallel_loop3A_170 : f32 to vector<16xf32>
        %parallel_loop3A_172 = arith.cmpf oge, %parallel_loop3A_169, %parallel_loop3A_171 : vector<16xf32>
        %parallel_loop3A_173 = arith.constant 5.000000e-01 : f32
        %parallel_loop3A_174 = arith.constant -5.000000e-01 : f32
        %parallel_loop3A_175 = vector.broadcast %parallel_loop3A_173 : f32 to vector<16xf32>
        %parallel_loop3A_176 = vector.broadcast %parallel_loop3A_174 : f32 to vector<16xf32>
        %parallel_loop3A_177 = arith.select %parallel_loop3A_172, %parallel_loop3A_175, %parallel_loop3A_176 : vector<16xi1>, vector<16xf32>
        %parallel_loop3A_178 = arith.addf %parallel_loop3A_169, %parallel_loop3A_177 : vector<16xf32>
        %parallel_loop3A_179 = arith.fptosi %parallel_loop3A_178 : vector<16xf32> to vector<16xi32>
        %parallel_loop3A_180 = arith.sitofp %parallel_loop3A_179 : vector<16xi32> to vector<16xf32>
        %parallel_loop3A_181 = arith.subf %parallel_loop3A_169, %parallel_loop3A_180 : vector<16xf32>
        %parallel_loop3A_182 = arith.constant 1.57079637 : f32
        %parallel_loop3A_183 = vector.broadcast %parallel_loop3A_182 : f32 to vector<16xf32>
        %parallel_loop3A_184 = arith.mulf %parallel_loop3A_181, %parallel_loop3A_183 : vector<16xf32>
        %parallel_loop3A_185 = arith.mulf %parallel_loop3A_184, %parallel_loop3A_184 : vector<16xf32>
        %parallel_loop3A_186 = arith.constant -1.98412701E-4 : f32
        %parallel_loop3A_187 = vector.broadcast %parallel_loop3A_186 : f32 to vector<16xf32>
        %parallel_loop3A_188 = arith.mulf %parallel_loop3A_185, %parallel_loop3A_187 : vector<16xf32>
        %parallel_loop3A_189 = arith.constant 0.00833333377 : f32
        %parallel_loop3A_190 = vector.broadcast %parallel_loop3A_189 : f32 to vector<16xf32>
        %parallel_loop3A_191 = arith.addf %parallel_loop3A_190, %parallel_loop3A_188 : vector<16xf32>
        %parallel_loop3A_192 = arith.mulf %parallel_loop3A_185, %parallel_loop3A_191 : vector<16xf32>
        %parallel_loop3A_193 = arith.constant -0.166666672 : f32
        %parallel_loop3A_194 = vector.broadcast %parallel_loop3A_193 : f32 to vector<16xf32>
        %parallel_loop3A_195 = arith.addf %parallel_loop3A_194, %parallel_loop3A_192 : vector<16xf32>
        %parallel_loop3A_196 = arith.mulf %parallel_loop3A_185, %parallel_loop3A_195 : vector<16xf32>
        %parallel_loop3A_197 = arith.constant 1.000000e+00 : f32
        %parallel_loop3A_198 = vector.broadcast %parallel_loop3A_197 : f32 to vector<16xf32>
        %parallel_loop3A_199 = arith.addf %parallel_loop3A_198, %parallel_loop3A_196 : vector<16xf32>
        %parallel_loop3A_200 = arith.mulf %parallel_loop3A_184, %parallel_loop3A_199 : vector<16xf32>
        %parallel_loop3A_201 = arith.constant -0.00138888892 : f32
        %parallel_loop3A_202 = vector.broadcast %parallel_loop3A_201 : f32 to vector<16xf32>
        %parallel_loop3A_203 = arith.mulf %parallel_loop3A_185, %parallel_loop3A_202 : vector<16xf32>
        %parallel_loop3A_204 = arith.constant 0.0416666679 : f32
        %parallel_loop3A_205 = vector.broadcast %parallel_loop3A_204 : f32 to vector<16xf32>
        %parallel_loop3A_206 = arith.addf %parallel_loop3A_205, %parallel_loop3A_203 : vector<16xf32>
        %parallel_loop3A_207 = arith.mulf %parallel_loop3A_185, %parallel_loop3A_206 : vector<16xf32>
        %parallel_loop3A_208 = arith.constant -5.000000e-01 : f32
        %parallel_loop3A_209 = vector.broadcast %parallel_loop3A_208 : f32 to vector<16xf32>
        %parallel_loop3A_210 = arith.addf %parallel_loop3A_209, %parallel_loop3A_207 : vector<16xf32>
        %parallel_loop3A_211 = arith.mulf %parallel_loop3A_185, %parallel_loop3A_210 : vector<16xf32>
        %parallel_loop3A_212 = arith.constant 1.000000e+00 : f32
        %parallel_loop3A_213 = vector.broadcast %parallel_loop3A_212 : f32 to vector<16xf32>
        %parallel_loop3A_214 = arith.addf %parallel_loop3A_213, %parallel_loop3A_211 : vector<16xf32>
        %parallel_loop3A_215 = arith.constant 3 : i32
        %parallel_loop3A_216 = vector.broadcast %parallel_loop3A_215 : i32 to vector<16xi32>
        %parallel_loop3A_217 = arith.andi %parallel_loop3A_179, %parallel_loop3A_216 : vector<16xi32>
        %parallel_loop3A_218 = arith.constant 0 : i32
        %parallel_loop3A_219 = vector.broadcast %parallel_loop3A_218 : i32 to vector<16xi32>
        %parallel_loop3A_220 = arith.cmpi eq, %parallel_loop3A_217, %parallel_loop3A_219 : vector<16xi32>
        %parallel_loop3A_221 = arith.constant 1 : i32
        %parallel_loop3A_222 = vector.broadcast %parallel_loop3A_221 : i32 to vector<16xi32>
        %parallel_loop3A_223 = arith.cmpi eq, %parallel_loop3A_217, %parallel_loop3A_222 : vector<16xi32>
        %parallel_loop3A_224 = arith.constant 0.000000e+00 : f32
        %parallel_loop3A_225 = vector.broadcast %parallel_loop3A_224 : f32 to vector<16xf32>
        %parallel_loop3A_226 = arith.subf %parallel_loop3A_225, %parallel_loop3A_200 : vector<16xf32>
        %parallel_loop3A_227 = arith.constant 2 : i32
        %parallel_loop3A_228 = vector.broadcast %parallel_loop3A_227 : i32 to vector<16xi32>
        %parallel_loop3A_229 = arith.cmpi eq, %parallel_loop3A_217, %parallel_loop3A_228 : vector<16xi32>
        %parallel_loop3A_230 = arith.constant 0.000000e+00 : f32
        %parallel_loop3A_231 = vector.broadcast %parallel_loop3A_230 : f32 to vector<16xf32>
        %parallel_loop3A_232 = arith.subf %parallel_loop3A_231, %parallel_loop3A_214 : vector<16xf32>
        %parallel_loop3A_233 = arith.select %parallel_loop3A_229, %parallel_loop3A_232, %parallel_loop3A_200 : vector<16xi1>, vector<16xf32>
        %parallel_loop3A_234 = arith.select %parallel_loop3A_223, %parallel_loop3A_226, %parallel_loop3A_233 : vector<16xi1>, vector<16xf32>
        %parallel_loop3A_235 = arith.select %parallel_loop3A_220, %parallel_loop3A_214, %parallel_loop3A_234 : vector<16xi1>, vector<16xf32>
        %parallel_loop3A_236 = arith.constant 0 : i32
        %parallel_loop3A_237 = vector.broadcast %parallel_loop3A_236 : i32 to vector<16xi32>
        %parallel_loop3A_238 = arith.cmpi eq, %parallel_loop3A_217, %parallel_loop3A_237 : vector<16xi32>
        %parallel_loop3A_239 = arith.constant 1 : i32
        %parallel_loop3A_240 = vector.broadcast %parallel_loop3A_239 : i32 to vector<16xi32>
        %parallel_loop3A_241 = arith.cmpi eq, %parallel_loop3A_217, %parallel_loop3A_240 : vector<16xi32>
        %parallel_loop3A_242 = arith.constant 2 : i32
        %parallel_loop3A_243 = vector.broadcast %parallel_loop3A_242 : i32 to vector<16xi32>
        %parallel_loop3A_244 = arith.cmpi eq, %parallel_loop3A_217, %parallel_loop3A_243 : vector<16xi32>
        %parallel_loop3A_245 = arith.constant 0.000000e+00 : f32
        %parallel_loop3A_246 = vector.broadcast %parallel_loop3A_245 : f32 to vector<16xf32>
        %parallel_loop3A_247 = arith.subf %parallel_loop3A_246, %parallel_loop3A_200 : vector<16xf32>
        %parallel_loop3A_248 = arith.constant 0.000000e+00 : f32
        %parallel_loop3A_249 = vector.broadcast %parallel_loop3A_248 : f32 to vector<16xf32>
        %parallel_loop3A_250 = arith.subf %parallel_loop3A_249, %parallel_loop3A_214 : vector<16xf32>
        %parallel_loop3A_251 = arith.select %parallel_loop3A_244, %parallel_loop3A_247, %parallel_loop3A_250 : vector<16xi1>, vector<16xf32>
        %parallel_loop3A_252 = arith.select %parallel_loop3A_241, %parallel_loop3A_214, %parallel_loop3A_251 : vector<16xi1>, vector<16xf32>
        %parallel_loop3A_253 = arith.select %parallel_loop3A_238, %parallel_loop3A_200, %parallel_loop3A_252 : vector<16xi1>, vector<16xf32>
        %parallel_loop3A_254 = arith.mulf %parallel_loop3A_235, %parallel_loop3A_97 : vector<16xf32>
        %parallel_loop3A_255 = arith.mulf %parallel_loop3A_253, %parallel_loop3A_100 : vector<16xf32>
        %parallel_loop3A_256 = arith.subf %parallel_loop3A_254, %parallel_loop3A_255 : vector<16xf32>
        %parallel_loop3A_257 = math.absf %parallel_loop3A_256 : vector<16xf32>
        %parallel_loop3A_258 = arith.mulf %parallel_loop3A_253, %parallel_loop3A_97 : vector<16xf32>
        %parallel_loop3A_259 = arith.mulf %parallel_loop3A_235, %parallel_loop3A_100 : vector<16xf32>
        %parallel_loop3A_260 = arith.addf %parallel_loop3A_258, %parallel_loop3A_259 : vector<16xf32>
        %parallel_loop3A_261 = math.absf %parallel_loop3A_260 : vector<16xf32>
        %parallel_loop3A_262 = math.absf %parallel_loop3A_103 : vector<16xf32>
        %parallel_loop3A_263 = arith.addf %parallel_loop3A_106, %parallel_loop3A_109 : vector<16xf32>
        %parallel_loop3A_264 = arith.addf %parallel_loop3A_263, %parallel_loop3A_112 : vector<16xf32>
        %parallel_loop3A_265 = math.absf %parallel_loop3A_264 : vector<16xf32>
        %parallel_loop3A_266 = arith.constant 0 : i32
        %parallel_loop3A_267 = vector.broadcast %parallel_loop3A_266 : i32 to vector<16xi32>
        %parallel_loop3A_268 = arith.cmpf ogt, %parallel_loop3A_261, %parallel_loop3A_257 : vector<16xf32>
        %parallel_loop3A_269 = arith.constant 1 : i32
        %parallel_loop3A_270 = vector.broadcast %parallel_loop3A_269 : i32 to vector<16xi32>
        %parallel_loop3A_271 = arith.select %parallel_loop3A_268, %parallel_loop3A_270, %parallel_loop3A_267 : vector<16xi1>, vector<16xi32>
        %parallel_loop3A_272 = arith.maximumf %parallel_loop3A_257, %parallel_loop3A_261 : vector<16xf32>
        %parallel_loop3A_273 = arith.cmpf ogt, %parallel_loop3A_262, %parallel_loop3A_272 : vector<16xf32>
        %parallel_loop3A_274 = arith.constant 2 : i32
        %parallel_loop3A_275 = vector.broadcast %parallel_loop3A_274 : i32 to vector<16xi32>
        %parallel_loop3A_276 = arith.select %parallel_loop3A_273, %parallel_loop3A_275, %parallel_loop3A_271 : vector<16xi1>, vector<16xi32>
        %parallel_loop3A_277 = arith.maximumf %parallel_loop3A_272, %parallel_loop3A_262 : vector<16xf32>
        %parallel_loop3A_278 = arith.cmpf ogt, %parallel_loop3A_265, %parallel_loop3A_277 : vector<16xf32>
        %parallel_loop3A_279 = arith.constant 3 : i32
        %parallel_loop3A_280 = vector.broadcast %parallel_loop3A_279 : i32 to vector<16xi32>
        %parallel_loop3A_281 = arith.select %parallel_loop3A_278, %parallel_loop3A_280, %parallel_loop3A_276 : vector<16xi1>, vector<16xi32>
        %parallel_loop3A_282 = arith.constant 0 : i32
        %parallel_loop3A_283 = vector.broadcast %parallel_loop3A_282 : i32 to vector<16xi32>
        %parallel_loop3A_284 = arith.cmpi eq, %parallel_loop3A_281, %parallel_loop3A_283 : vector<16xi32>
        %parallel_loop3A_285 = arith.constant 1 : i32
        %parallel_loop3A_286 = vector.broadcast %parallel_loop3A_285 : i32 to vector<16xi32>
        %parallel_loop3A_287 = arith.cmpi eq, %parallel_loop3A_281, %parallel_loop3A_286 : vector<16xi32>
        %parallel_loop3A_288 = arith.constant 2 : i32
        %parallel_loop3A_289 = vector.broadcast %parallel_loop3A_288 : i32 to vector<16xi32>
        %parallel_loop3A_290 = arith.cmpi eq, %parallel_loop3A_281, %parallel_loop3A_289 : vector<16xi32>
        %parallel_loop3A_291 = arith.constant 0.000000e+00 : f32
        %parallel_loop3A_292 = vector.broadcast %parallel_loop3A_291 : f32 to vector<16xf32>
        %parallel_loop3A_293 = arith.subf %parallel_loop3A_292, %parallel_loop3A_235 : vector<16xf32>
        %parallel_loop3A_294 = arith.constant 0.000000e+00 : f32
        %parallel_loop3A_295 = vector.broadcast %parallel_loop3A_294 : f32 to vector<16xf32>
        %parallel_loop3A_296 = arith.subf %parallel_loop3A_295, %parallel_loop3A_253 : vector<16xf32>
        %parallel_loop3A_297 = arith.select %parallel_loop3A_290, %parallel_loop3A_293, %parallel_loop3A_296 : vector<16xi1>, vector<16xf32>
        %parallel_loop3A_298 = arith.select %parallel_loop3A_287, %parallel_loop3A_253, %parallel_loop3A_297 : vector<16xi1>, vector<16xf32>
        %parallel_loop3A_299 = arith.select %parallel_loop3A_284, %parallel_loop3A_235, %parallel_loop3A_298 : vector<16xi1>, vector<16xf32>
        %parallel_loop3A_300 = arith.constant 0 : i32
        %parallel_loop3A_301 = vector.broadcast %parallel_loop3A_300 : i32 to vector<16xi32>
        %parallel_loop3A_302 = arith.cmpi eq, %parallel_loop3A_281, %parallel_loop3A_301 : vector<16xi32>
        %parallel_loop3A_303 = arith.constant 0.000000e+00 : f32
        %parallel_loop3A_304 = vector.broadcast %parallel_loop3A_303 : f32 to vector<16xf32>
        %parallel_loop3A_305 = arith.subf %parallel_loop3A_304, %parallel_loop3A_253 : vector<16xf32>
        %parallel_loop3A_306 = arith.constant 1 : i32
        %parallel_loop3A_307 = vector.broadcast %parallel_loop3A_306 : i32 to vector<16xi32>
        %parallel_loop3A_308 = arith.cmpi eq, %parallel_loop3A_281, %parallel_loop3A_307 : vector<16xi32>
        %parallel_loop3A_309 = arith.constant 2 : i32
        %parallel_loop3A_310 = vector.broadcast %parallel_loop3A_309 : i32 to vector<16xi32>
        %parallel_loop3A_311 = arith.cmpi eq, %parallel_loop3A_281, %parallel_loop3A_310 : vector<16xi32>
        %parallel_loop3A_312 = arith.constant 0.000000e+00 : f32
        %parallel_loop3A_313 = vector.broadcast %parallel_loop3A_312 : f32 to vector<16xf32>
        %parallel_loop3A_314 = arith.subf %parallel_loop3A_313, %parallel_loop3A_235 : vector<16xf32>
        %parallel_loop3A_315 = arith.select %parallel_loop3A_311, %parallel_loop3A_253, %parallel_loop3A_314 : vector<16xi1>, vector<16xf32>
        %parallel_loop3A_316 = arith.select %parallel_loop3A_308, %parallel_loop3A_235, %parallel_loop3A_315 : vector<16xi1>, vector<16xf32>
        %parallel_loop3A_317 = arith.select %parallel_loop3A_302, %parallel_loop3A_305, %parallel_loop3A_316 : vector<16xi1>, vector<16xf32>
        %parallel_loop3A_318 = arith.constant 16 : i32
        %parallel_loop3A_319 = arith.muli %parallel_loop3A_89, %parallel_loop3A_318 : i32
        %parallel_loop3A_320 = arith.index_cast %parallel_loop3A_319 : i32 to index
        %parallel_loop3A_321 = tpu.vector_load %arg8[%parallel_loop3A_320] {strides = array<i32>} : memref<256xi32, #tpu.memory_space<vmem>>, vector<16xi32>,
        %parallel_loop3A_322 = arith.constant 0 : i32
        %parallel_loop3A_323 = vector.broadcast %parallel_loop3A_322 : i32 to vector<16xi32>
        %parallel_loop3A_324 = arith.cmpi ne, %parallel_loop3A_321, %parallel_loop3A_323 : vector<16xi32>
        %parallel_loop3A_325 = arith.sitofp %parallel_loop3A_281 : vector<16xi32> to vector<16xf32>
        %parallel_loop3A_326 = arith.constant 12 : i32
        %parallel_loop3A_327 = vector.broadcast %parallel_loop3A_326 : i32 to vector<16xi32>
        tpu.vector_store_idx %arg6[%parallel_loop3A_94, %parallel_loop3A_327], %parallel_loop3A_325 masked %parallel_loop3A_324 : memref<256x32xf32, #tpu.memory_space<vmem>>[vector<16xi32>, vector<16xi32>], vector<16xf32>, vector<16xi1>
        %parallel_loop3A_328 = arith.mulf %parallel_loop3A_299, %parallel_loop3A_97 : vector<16xf32>
        %parallel_loop3A_329 = arith.mulf %parallel_loop3A_317, %parallel_loop3A_100 : vector<16xf32>
        %parallel_loop3A_330 = arith.subf %parallel_loop3A_328, %parallel_loop3A_329 : vector<16xf32>
        %parallel_loop3A_331 = arith.constant 0 : i32
        %parallel_loop3A_332 = vector.broadcast %parallel_loop3A_331 : i32 to vector<16xi32>
        tpu.vector_store_idx %arg6[%parallel_loop3A_94, %parallel_loop3A_332], %parallel_loop3A_330 masked %parallel_loop3A_324 : memref<256x32xf32, #tpu.memory_space<vmem>>[vector<16xi32>, vector<16xi32>], vector<16xf32>, vector<16xi1>
        %parallel_loop3A_333 = arith.mulf %parallel_loop3A_317, %parallel_loop3A_97 : vector<16xf32>
        %parallel_loop3A_334 = arith.mulf %parallel_loop3A_299, %parallel_loop3A_100 : vector<16xf32>
        %parallel_loop3A_335 = arith.addf %parallel_loop3A_333, %parallel_loop3A_334 : vector<16xf32>
        %parallel_loop3A_336 = arith.constant 1 : i32
        %parallel_loop3A_337 = vector.broadcast %parallel_loop3A_336 : i32 to vector<16xi32>
        tpu.vector_store_idx %arg6[%parallel_loop3A_94, %parallel_loop3A_337], %parallel_loop3A_335 masked %parallel_loop3A_324 : memref<256x32xf32, #tpu.memory_space<vmem>>[vector<16xi32>, vector<16xi32>], vector<16xf32>, vector<16xi1>
        %parallel_loop3A_338 = arith.mulf %parallel_loop3A_299, %parallel_loop3A_103 : vector<16xf32>
        %parallel_loop3A_339 = arith.mulf %parallel_loop3A_317, %parallel_loop3A_106 : vector<16xf32>
        %parallel_loop3A_340 = arith.subf %parallel_loop3A_338, %parallel_loop3A_339 : vector<16xf32>
        %parallel_loop3A_341 = arith.constant 2 : i32
        %parallel_loop3A_342 = vector.broadcast %parallel_loop3A_341 : i32 to vector<16xi32>
        tpu.vector_store_idx %arg6[%parallel_loop3A_94, %parallel_loop3A_342], %parallel_loop3A_340 masked %parallel_loop3A_324 : memref<256x32xf32, #tpu.memory_space<vmem>>[vector<16xi32>, vector<16xi32>], vector<16xf32>, vector<16xi1>
        %parallel_loop3A_343 = arith.mulf %parallel_loop3A_317, %parallel_loop3A_103 : vector<16xf32>
        %parallel_loop3A_344 = arith.mulf %parallel_loop3A_299, %parallel_loop3A_106 : vector<16xf32>
        %parallel_loop3A_345 = arith.addf %parallel_loop3A_343, %parallel_loop3A_344 : vector<16xf32>
        %parallel_loop3A_346 = arith.constant 3 : i32
        %parallel_loop3A_347 = vector.broadcast %parallel_loop3A_346 : i32 to vector<16xi32>
        tpu.vector_store_idx %arg6[%parallel_loop3A_94, %parallel_loop3A_347], %parallel_loop3A_345 masked %parallel_loop3A_324 : memref<256x32xf32, #tpu.memory_space<vmem>>[vector<16xi32>, vector<16xi32>], vector<16xf32>, vector<16xi1>
        %parallel_loop3A_348 = arith.mulf %parallel_loop3A_299, %parallel_loop3A_109 : vector<16xf32>
        %parallel_loop3A_349 = arith.mulf %parallel_loop3A_317, %parallel_loop3A_112 : vector<16xf32>
        %parallel_loop3A_350 = arith.subf %parallel_loop3A_348, %parallel_loop3A_349 : vector<16xf32>
        %parallel_loop3A_351 = arith.constant 4 : i32
        %parallel_loop3A_352 = vector.broadcast %parallel_loop3A_351 : i32 to vector<16xi32>
        tpu.vector_store_idx %arg6[%parallel_loop3A_94, %parallel_loop3A_352], %parallel_loop3A_350 masked %parallel_loop3A_324 : memref<256x32xf32, #tpu.memory_space<vmem>>[vector<16xi32>, vector<16xi32>], vector<16xf32>, vector<16xi1>
        %parallel_loop3A_353 = arith.mulf %parallel_loop3A_317, %parallel_loop3A_109 : vector<16xf32>
        %parallel_loop3A_354 = arith.mulf %parallel_loop3A_299, %parallel_loop3A_112 : vector<16xf32>
        %parallel_loop3A_355 = arith.addf %parallel_loop3A_353, %parallel_loop3A_354 : vector<16xf32>
        %parallel_loop3A_356 = arith.constant 5 : i32
        %parallel_loop3A_357 = vector.broadcast %parallel_loop3A_356 : i32 to vector<16xi32>
        tpu.vector_store_idx %arg6[%parallel_loop3A_94, %parallel_loop3A_357], %parallel_loop3A_355 masked %parallel_loop3A_324 : memref<256x32xf32, #tpu.memory_space<vmem>>[vector<16xi32>, vector<16xi32>], vector<16xf32>, vector<16xi1>
        %parallel_loop3A_358 = arith.mulf %parallel_loop3A_299, %parallel_loop3A_115 : vector<16xf32>
        %parallel_loop3A_359 = arith.mulf %parallel_loop3A_317, %parallel_loop3A_118 : vector<16xf32>
        %parallel_loop3A_360 = arith.subf %parallel_loop3A_358, %parallel_loop3A_359 : vector<16xf32>
        %parallel_loop3A_361 = arith.constant 6 : i32
        %parallel_loop3A_362 = vector.broadcast %parallel_loop3A_361 : i32 to vector<16xi32>
        tpu.vector_store_idx %arg6[%parallel_loop3A_94, %parallel_loop3A_362], %parallel_loop3A_360 masked %parallel_loop3A_324 : memref<256x32xf32, #tpu.memory_space<vmem>>[vector<16xi32>, vector<16xi32>], vector<16xf32>, vector<16xi1>
        %parallel_loop3A_363 = arith.mulf %parallel_loop3A_317, %parallel_loop3A_115 : vector<16xf32>
        %parallel_loop3A_364 = arith.mulf %parallel_loop3A_299, %parallel_loop3A_118 : vector<16xf32>
        %parallel_loop3A_365 = arith.addf %parallel_loop3A_363, %parallel_loop3A_364 : vector<16xf32>
        %parallel_loop3A_366 = arith.constant 7 : i32
        %parallel_loop3A_367 = vector.broadcast %parallel_loop3A_366 : i32 to vector<16xi32>
        tpu.vector_store_idx %arg6[%parallel_loop3A_94, %parallel_loop3A_367], %parallel_loop3A_365 masked %parallel_loop3A_324 : memref<256x32xf32, #tpu.memory_space<vmem>>[vector<16xi32>, vector<16xi32>], vector<16xf32>, vector<16xi1>
        %parallel_loop3A_368 = arith.mulf %parallel_loop3A_299, %parallel_loop3A_121 : vector<16xf32>
        %parallel_loop3A_369 = arith.mulf %parallel_loop3A_317, %parallel_loop3A_124 : vector<16xf32>
        %parallel_loop3A_370 = arith.subf %parallel_loop3A_368, %parallel_loop3A_369 : vector<16xf32>
        %parallel_loop3A_371 = arith.constant 8 : i32
        %parallel_loop3A_372 = vector.broadcast %parallel_loop3A_371 : i32 to vector<16xi32>
        tpu.vector_store_idx %arg6[%parallel_loop3A_94, %parallel_loop3A_372], %parallel_loop3A_370 masked %parallel_loop3A_324 : memref<256x32xf32, #tpu.memory_space<vmem>>[vector<16xi32>, vector<16xi32>], vector<16xf32>, vector<16xi1>
        %parallel_loop3A_373 = arith.mulf %parallel_loop3A_317, %parallel_loop3A_121 : vector<16xf32>
        %parallel_loop3A_374 = arith.mulf %parallel_loop3A_299, %parallel_loop3A_124 : vector<16xf32>
        %parallel_loop3A_375 = arith.addf %parallel_loop3A_373, %parallel_loop3A_374 : vector<16xf32>
        %parallel_loop3A_376 = arith.constant 9 : i32
        %parallel_loop3A_377 = vector.broadcast %parallel_loop3A_376 : i32 to vector<16xi32>
        tpu.vector_store_idx %arg6[%parallel_loop3A_94, %parallel_loop3A_377], %parallel_loop3A_375 masked %parallel_loop3A_324 : memref<256x32xf32, #tpu.memory_space<vmem>>[vector<16xi32>, vector<16xi32>], vector<16xf32>, vector<16xi1>
        %parallel_loop3A_378 = arith.mulf %parallel_loop3A_299, %parallel_loop3A_127 : vector<16xf32>
        %parallel_loop3A_379 = arith.mulf %parallel_loop3A_317, %parallel_loop3A_130 : vector<16xf32>
        %parallel_loop3A_380 = arith.subf %parallel_loop3A_378, %parallel_loop3A_379 : vector<16xf32>
        %parallel_loop3A_381 = arith.constant 10 : i32
        %parallel_loop3A_382 = vector.broadcast %parallel_loop3A_381 : i32 to vector<16xi32>
        tpu.vector_store_idx %arg6[%parallel_loop3A_94, %parallel_loop3A_382], %parallel_loop3A_380 masked %parallel_loop3A_324 : memref<256x32xf32, #tpu.memory_space<vmem>>[vector<16xi32>, vector<16xi32>], vector<16xf32>, vector<16xi1>
        %parallel_loop3A_383 = arith.mulf %parallel_loop3A_317, %parallel_loop3A_127 : vector<16xf32>
        %parallel_loop3A_384 = arith.mulf %parallel_loop3A_299, %parallel_loop3A_130 : vector<16xf32>
        %parallel_loop3A_385 = arith.addf %parallel_loop3A_383, %parallel_loop3A_384 : vector<16xf32>
        %parallel_loop3A_386 = arith.constant 11 : i32
        %parallel_loop3A_387 = vector.broadcast %parallel_loop3A_386 : i32 to vector<16xi32>
        tpu.vector_store_idx %arg6[%parallel_loop3A_94, %parallel_loop3A_387], %parallel_loop3A_385 masked %parallel_loop3A_324 : memref<256x32xf32, #tpu.memory_space<vmem>>[vector<16xi32>, vector<16xi32>], vector<16xf32>, vector<16xi1>
        %parallel_loop3A_388 = arith.mulf %parallel_loop3A_299, %parallel_loop3A_133 : vector<16xf32>
        %parallel_loop3A_389 = arith.mulf %parallel_loop3A_317, %parallel_loop3A_136 : vector<16xf32>
        %parallel_loop3A_390 = arith.subf %parallel_loop3A_388, %parallel_loop3A_389 : vector<16xf32>
        %parallel_loop3A_391 = arith.constant 13 : i32
        %parallel_loop3A_392 = vector.broadcast %parallel_loop3A_391 : i32 to vector<16xi32>
        tpu.vector_store_idx %arg6[%parallel_loop3A_94, %parallel_loop3A_392], %parallel_loop3A_390 masked %parallel_loop3A_324 : memref<256x32xf32, #tpu.memory_space<vmem>>[vector<16xi32>, vector<16xi32>], vector<16xf32>, vector<16xi1>
        %parallel_loop3A_393 = arith.mulf %parallel_loop3A_317, %parallel_loop3A_133 : vector<16xf32>
        %parallel_loop3A_394 = arith.mulf %parallel_loop3A_299, %parallel_loop3A_136 : vector<16xf32>
        %parallel_loop3A_395 = arith.addf %parallel_loop3A_393, %parallel_loop3A_394 : vector<16xf32>
        %parallel_loop3A_396 = arith.constant 14 : i32
        %parallel_loop3A_397 = vector.broadcast %parallel_loop3A_396 : i32 to vector<16xi32>
        tpu.vector_store_idx %arg6[%parallel_loop3A_94, %parallel_loop3A_397], %parallel_loop3A_395 masked %parallel_loop3A_324 : memref<256x32xf32, #tpu.memory_space<vmem>>[vector<16xi32>, vector<16xi32>], vector<16xf32>, vector<16xi1>
        %parallel_loop3A_398 = arith.mulf %parallel_loop3A_299, %parallel_loop3A_139 : vector<16xf32>
        %parallel_loop3A_399 = arith.mulf %parallel_loop3A_317, %parallel_loop3A_142 : vector<16xf32>
        %parallel_loop3A_400 = arith.subf %parallel_loop3A_398, %parallel_loop3A_399 : vector<16xf32>
        %parallel_loop3A_401 = arith.constant 15 : i32
        %parallel_loop3A_402 = vector.broadcast %parallel_loop3A_401 : i32 to vector<16xi32>
        tpu.vector_store_idx %arg6[%parallel_loop3A_94, %parallel_loop3A_402], %parallel_loop3A_400 masked %parallel_loop3A_324 : memref<256x32xf32, #tpu.memory_space<vmem>>[vector<16xi32>, vector<16xi32>], vector<16xf32>, vector<16xi1>
        %parallel_loop3A_403 = arith.mulf %parallel_loop3A_317, %parallel_loop3A_139 : vector<16xf32>
        %parallel_loop3A_404 = arith.mulf %parallel_loop3A_299, %parallel_loop3A_142 : vector<16xf32>
        %parallel_loop3A_405 = arith.addf %parallel_loop3A_403, %parallel_loop3A_404 : vector<16xf32>
        %parallel_loop3A_406 = arith.constant 16 : i32
        %parallel_loop3A_407 = vector.broadcast %parallel_loop3A_406 : i32 to vector<16xi32>
        tpu.vector_store_idx %arg6[%parallel_loop3A_94, %parallel_loop3A_407], %parallel_loop3A_405 masked %parallel_loop3A_324 : memref<256x32xf32, #tpu.memory_space<vmem>>[vector<16xi32>, vector<16xi32>], vector<16xf32>, vector<16xi1>
        %parallel_loop3A_408 = arith.mulf %parallel_loop3A_299, %parallel_loop3A_145 : vector<16xf32>
        %parallel_loop3A_409 = arith.mulf %parallel_loop3A_317, %parallel_loop3A_148 : vector<16xf32>
        %parallel_loop3A_410 = arith.subf %parallel_loop3A_408, %parallel_loop3A_409 : vector<16xf32>
        %parallel_loop3A_411 = arith.constant 17 : i32
        %parallel_loop3A_412 = vector.broadcast %parallel_loop3A_411 : i32 to vector<16xi32>
        tpu.vector_store_idx %arg6[%parallel_loop3A_94, %parallel_loop3A_412], %parallel_loop3A_410 masked %parallel_loop3A_324 : memref<256x32xf32, #tpu.memory_space<vmem>>[vector<16xi32>, vector<16xi32>], vector<16xf32>, vector<16xi1>
        %parallel_loop3A_413 = arith.mulf %parallel_loop3A_317, %parallel_loop3A_145 : vector<16xf32>
        %parallel_loop3A_414 = arith.mulf %parallel_loop3A_299, %parallel_loop3A_148 : vector<16xf32>
        %parallel_loop3A_415 = arith.addf %parallel_loop3A_413, %parallel_loop3A_414 : vector<16xf32>
        %parallel_loop3A_416 = arith.constant 18 : i32
        %parallel_loop3A_417 = vector.broadcast %parallel_loop3A_416 : i32 to vector<16xi32>
        tpu.vector_store_idx %arg6[%parallel_loop3A_94, %parallel_loop3A_417], %parallel_loop3A_415 masked %parallel_loop3A_324 : memref<256x32xf32, #tpu.memory_space<vmem>>[vector<16xi32>, vector<16xi32>], vector<16xf32>, vector<16xi1>
        %parallel_loop3A_418 = arith.mulf %parallel_loop3A_299, %parallel_loop3A_151 : vector<16xf32>
        %parallel_loop3A_419 = arith.mulf %parallel_loop3A_317, %parallel_loop3A_154 : vector<16xf32>
        %parallel_loop3A_420 = arith.subf %parallel_loop3A_418, %parallel_loop3A_419 : vector<16xf32>
        %parallel_loop3A_421 = arith.constant 19 : i32
        %parallel_loop3A_422 = vector.broadcast %parallel_loop3A_421 : i32 to vector<16xi32>
        tpu.vector_store_idx %arg6[%parallel_loop3A_94, %parallel_loop3A_422], %parallel_loop3A_420 masked %parallel_loop3A_324 : memref<256x32xf32, #tpu.memory_space<vmem>>[vector<16xi32>, vector<16xi32>], vector<16xf32>, vector<16xi1>
        %parallel_loop3A_423 = arith.mulf %parallel_loop3A_317, %parallel_loop3A_151 : vector<16xf32>
        %parallel_loop3A_424 = arith.mulf %parallel_loop3A_299, %parallel_loop3A_154 : vector<16xf32>
        %parallel_loop3A_425 = arith.addf %parallel_loop3A_423, %parallel_loop3A_424 : vector<16xf32>
        %parallel_loop3A_426 = arith.constant 20 : i32
        %parallel_loop3A_427 = vector.broadcast %parallel_loop3A_426 : i32 to vector<16xi32>
        tpu.vector_store_idx %arg6[%parallel_loop3A_94, %parallel_loop3A_427], %parallel_loop3A_425 masked %parallel_loop3A_324 : memref<256x32xf32, #tpu.memory_space<vmem>>[vector<16xi32>, vector<16xi32>], vector<16xf32>, vector<16xi1>
        %parallel_loop3A_428 = arith.mulf %parallel_loop3A_299, %parallel_loop3A_157 : vector<16xf32>
        %parallel_loop3A_429 = arith.mulf %parallel_loop3A_317, %parallel_loop3A_160 : vector<16xf32>
        %parallel_loop3A_430 = arith.subf %parallel_loop3A_428, %parallel_loop3A_429 : vector<16xf32>
        %parallel_loop3A_431 = arith.constant 21 : i32
        %parallel_loop3A_432 = vector.broadcast %parallel_loop3A_431 : i32 to vector<16xi32>
        tpu.vector_store_idx %arg6[%parallel_loop3A_94, %parallel_loop3A_432], %parallel_loop3A_430 masked %parallel_loop3A_324 : memref<256x32xf32, #tpu.memory_space<vmem>>[vector<16xi32>, vector<16xi32>], vector<16xf32>, vector<16xi1>
        %parallel_loop3A_433 = arith.mulf %parallel_loop3A_317, %parallel_loop3A_157 : vector<16xf32>
        %parallel_loop3A_434 = arith.mulf %parallel_loop3A_299, %parallel_loop3A_160 : vector<16xf32>
        %parallel_loop3A_435 = arith.addf %parallel_loop3A_433, %parallel_loop3A_434 : vector<16xf32>
        %parallel_loop3A_436 = arith.constant 22 : i32
        %parallel_loop3A_437 = vector.broadcast %parallel_loop3A_436 : i32 to vector<16xi32>
        tpu.vector_store_idx %arg6[%parallel_loop3A_94, %parallel_loop3A_437], %parallel_loop3A_435 masked %parallel_loop3A_324 : memref<256x32xf32, #tpu.memory_space<vmem>>[vector<16xi32>, vector<16xi32>], vector<16xf32>, vector<16xi1>
        %parallel_loop3A_438 = arith.mulf %parallel_loop3A_299, %parallel_loop3A_163 : vector<16xf32>
        %parallel_loop3A_439 = arith.mulf %parallel_loop3A_317, %parallel_loop3A_166 : vector<16xf32>
        %parallel_loop3A_440 = arith.subf %parallel_loop3A_438, %parallel_loop3A_439 : vector<16xf32>
        %parallel_loop3A_441 = arith.constant 23 : i32
        %parallel_loop3A_442 = vector.broadcast %parallel_loop3A_441 : i32 to vector<16xi32>
        tpu.vector_store_idx %arg6[%parallel_loop3A_94, %parallel_loop3A_442], %parallel_loop3A_440 masked %parallel_loop3A_324 : memref<256x32xf32, #tpu.memory_space<vmem>>[vector<16xi32>, vector<16xi32>], vector<16xf32>, vector<16xi1>
        %parallel_loop3A_443 = arith.mulf %parallel_loop3A_317, %parallel_loop3A_163 : vector<16xf32>
        %parallel_loop3A_444 = arith.mulf %parallel_loop3A_299, %parallel_loop3A_166 : vector<16xf32>
        %parallel_loop3A_445 = arith.addf %parallel_loop3A_443, %parallel_loop3A_444 : vector<16xf32>
        %parallel_loop3A_446 = arith.constant 24 : i32
        %parallel_loop3A_447 = vector.broadcast %parallel_loop3A_446 : i32 to vector<16xi32>
        tpu.vector_store_idx %arg6[%parallel_loop3A_94, %parallel_loop3A_447], %parallel_loop3A_445 masked %parallel_loop3A_324 : memref<256x32xf32, #tpu.memory_space<vmem>>[vector<16xi32>, vector<16xi32>], vector<16xf32>, vector<16xi1>
      } {sc.loop_unroll_factor = 4 : i64, sc.parallel_access}
      %dma_wait3A_68 = arith.constant 0 : i32
      %dma_wait3A_69 = arith.constant 0 : i32
      %dma_wait3A_70 = tpu.memref_slice %arg4[%dma_wait3A_68, %dma_wait3A_69] : memref<1048576x32xf32, #tpu.memory_space<hbm>> -> memref<256x32xf32, #tpu.memory_space<hbm>>
      %dma_wait3A_71 = arith.constant 0 : i32
      %dma_wait3A_72 = arith.constant 0 : i32
      %dma_wait3A_73 = tpu.memref_slice %arg4[%dma_wait3A_71, %dma_wait3A_72] : memref<1048576x32xf32, #tpu.memory_space<hbm>> -> memref<256x32xf32, #tpu.memory_space<hbm>>
      tpu.wait_dma2 semaphore(%arg11 : memref<!tpu.dma_semaphore, #tpu.memory_space<semaphore_mem>>) src(%arg5 : memref<256x32xf32, #tpu.memory_space<vmem>>) dst(%dma_wait3A_73 : memref<256x32xf32, #tpu.memory_space<hbm>>)
      %add3A_74 = arith.constant 1 : i32
      %add3A_75 = arith.addi %scan3A_20, %add3A_74 : i32
      %lt3A = arith.constant 64 : i32
      %lt3A_76 = arith.cmpi slt, %add3A_75, %lt3A : i32
      %convert_element_type3A_77 = arith.extui %lt3A_76 : i1 to i32
      %cond3A_78 = arith.constant 0 : i32
      %cond3A_79 = arith.cmpi ne, %convert_element_type3A_77, %cond3A_78 : i32
      scf.if %cond3A_79 {
        %add3A_89 = arith.constant 2 : i32
        %add3A_90 = arith.addi %mul3A_22, %add3A_89 : i32
        %mul3A_91 = arith.constant 256 : i32
        %mul3A_92 = arith.muli %add3A_90, %mul3A_91 : i32
        %add3A_93 = arith.addi %mul3A_2, %mul3A_92 : i32
        %dma_start3A_94 = arith.constant 0 : i32
        %dma_start3A_95 = tpu.memref_slice %arg2[%add3A_93, %dma_start3A_94] : memref<1048576x32xf32, #tpu.memory_space<hbm>> -> memref<256x32xf32, #tpu.memory_space<hbm>>
        %dma_start3A_96 = arith.constant 0 : i32
        %dma_start3A_97 = tpu.memref_slice %arg2[%add3A_93, %dma_start3A_96] : memref<1048576x32xf32, #tpu.memory_space<hbm>> -> memref<256x32xf32, #tpu.memory_space<hbm>>
        tpu.enqueue_dma source(%dma_start3A_97 : memref<256x32xf32, #tpu.memory_space<hbm>>) target(%arg5 : memref<256x32xf32, #tpu.memory_space<vmem>>) target_semaphore(%arg9 : memref<!tpu.dma_semaphore, #tpu.memory_space<semaphore_mem>>)
        %dma_start3A_98 = tpu.memref_slice %arg3[%add3A_93] : memref<1048576xi32, #tpu.memory_space<hbm>> -> memref<256xi32, #tpu.memory_space<hbm>>
        %dma_start3A_99 = tpu.memref_slice %arg3[%add3A_93] : memref<1048576xi32, #tpu.memory_space<hbm>> -> memref<256xi32, #tpu.memory_space<hbm>>
        tpu.enqueue_dma source(%dma_start3A_99 : memref<256xi32, #tpu.memory_space<hbm>>) target(%arg7 : memref<256xi32, #tpu.memory_space<vmem>>) target_semaphore(%arg9 : memref<!tpu.dma_semaphore, #tpu.memory_space<semaphore_mem>>)
      } else {
      }
      %add3A_80 = arith.constant 1 : i32
      %add3A_81 = arith.addi %mul3A_22, %add3A_80 : i32
      %mul3A_82 = arith.constant 256 : i32
      %mul3A_83 = arith.muli %add3A_81, %mul3A_82 : i32
      %add3A_84 = arith.addi %mul3A_2, %mul3A_83 : i32
      %dma_start3A_85 = arith.constant 0 : i32
      %dma_start3A_86 = tpu.memref_slice %arg4[%add3A_84, %dma_start3A_85] : memref<1048576x32xf32, #tpu.memory_space<hbm>> -> memref<256x32xf32, #tpu.memory_space<hbm>>
      %dma_start3A_87 = arith.constant 0 : i32
      %dma_start3A_88 = tpu.memref_slice %arg4[%add3A_84, %dma_start3A_87] : memref<1048576x32xf32, #tpu.memory_space<hbm>> -> memref<256x32xf32, #tpu.memory_space<hbm>>
      tpu.enqueue_dma source(%arg6 : memref<256x32xf32, #tpu.memory_space<vmem>>) target(%dma_start3A_88 : memref<256x32xf32, #tpu.memory_space<hbm>>) target_semaphore(%arg12 : memref<!tpu.dma_semaphore, #tpu.memory_space<semaphore_mem>>)
    }
    %scan3A_14 = arith.constant 64 : i32
    %dma_wait3A = arith.constant 0 : i32
    %dma_wait3A_15 = arith.constant 0 : i32
    %dma_wait3A_16 = tpu.memref_slice %arg4[%dma_wait3A, %dma_wait3A_15] : memref<1048576x32xf32, #tpu.memory_space<hbm>> -> memref<256x32xf32, #tpu.memory_space<hbm>>
    %dma_wait3A_17 = arith.constant 0 : i32
    %dma_wait3A_18 = arith.constant 0 : i32
    %dma_wait3A_19 = tpu.memref_slice %arg4[%dma_wait3A_17, %dma_wait3A_18] : memref<1048576x32xf32, #tpu.memory_space<hbm>> -> memref<256x32xf32, #tpu.memory_space<hbm>>
    tpu.wait_dma2 semaphore(%arg12 : memref<!tpu.dma_semaphore, #tpu.memory_space<semaphore_mem>>) src(%arg6 : memref<256x32xf32, #tpu.memory_space<vmem>>) dst(%dma_wait3A_19 : memref<256x32xf32, #tpu.memory_space<hbm>>)
    return
  }
}

</mosaic_0001>

<sc_bundles>
// kernel: kernel.3.cloned.1.call-start
scs
__scs_entry_jumppad:
0x0: {  	(pc) =	sbr.rel $0x88, $3  }
0x1: {  	(tag) =	ssettag $0x0;
	lr =	simm.s32 $0x1  }
0x2: {  	[smem:$0x3F9F] =	sst lr;
	_ =	strace $0xD0000000  }
0x3: {  	_ = 	snop  }
0x4: {  	_ = 	snop  }
0x5: {  	_ = 	snop  }
0x6: {  	_ = 	snop  }
0x7: {  	_ = 	snop  }
__scs_overlays_trampoline_lowered:
0x8: {  	[smem:$0x3FAE] =	sst s0  }
0x9: {  	[smem:$0x3FAF] =	sst s1  }
0xa: {  	[smem:$0x3FB0] =	sst s2  }
0xb: {  	[smem:$0x3FB1] =	sst s3  }
0xc: {  	[smem:$0x3FB2] =	sst s4  }
0xd: {  	[smem:$0x3FB3] =	sst s5  }
0xe: {  	[smem:$0x3FB4] =	sst s6  }
0xf: {  	[smem:$0x3FB5] =	sst s7  }
0x10: {  	[smem:$0x3FB6] =	sst s8  }
0x11: {  	[smem:$0x3FB7] =	sst s9;
	s0 =	simm.s32 @!p0 $0x0  }
0x12: {  	s1 =	sld [smem:$0x3F9D];
	s0 =	simm.s32 @p0 $0x1  }
0x13: {  	[smem:$0x3FB8] =	sst s0;
	s0 =	simm.s32 @!p1 $0x0  }
0x14: {  	s2 =	sld [smem:$0x3F9C];
	s0 =	simm.s32 @p1 $0x1  }
0x15: {  	[smem:$0x3FB9] =	sst s0;
	s0 =	simm.s32 @!p2 $0x0  }
0x16: {  	s3 =	sld [smem:$0x3FDB];
	s0 =	simm.s32 @p2 $0x1  }
0x17: {  	s4 =	simm.s32 $0x1BF5;
	[smem:$0x3FBB] =	sst s0  }
0x18: {  	s0 =	sld [smem:$0x3F9E];
	_ =	swait.ge [sflag:s4], $0x0  }
0x19: {  	s7 =	sld [smem:$0x3F9F]  }
0x1a: {  	s8 =	sadd.s32 $0xFFFFE003, lr  }
0x1b: {  	s9 =	sadd.s32 $0xFFFFFEF7, lr;
	s5 =	simm.s32 $0xFFFFFFFF;
	p2 =	slt.u32 s8, $0xFFFFF086  }
0x1c: {  	p1 =	slt.u32 s9, $0xF7A;
	s5 =	simm.s32 @!p2 $0x0  }
0x1d: {  	s5 =	simm.s32 @p1 $0x1;
	p0 =	seq.s32 s7, s2  }
0x1e: {  	s7 =	smul.u32 @!p0 $0xF7A, s2;
	p2 =	seq.s32 @!p0 s5, $0x0  }
0x1f: {  	s9 =	smul.u32 $0xF7A, s1;
	s8 =	simm.s32 @!p0 $0x1BF5;
	p2 =	por !p2, p0  }
0x20: {  	[sflag:s8] =	ssyncset.s32 @!p0 $0xFFFFF086;
	s6 =	sadd.s32 @!p0 s3, s7;
	s7 =	simm.s32 @!p0 $0x108  }
0x21: {  	s3 =	sadd.s32 s3, s9;
	s6 =	sadd.s32 @!p0 $0x88, s6;
	s7 =	simm.s32 @p2 $0x1082  }
0x22: {  	[simem:s7], [sflag:s8] =	dma.local @!p0 [hbm:s6], $0xF7A  }
0x23: {  	s9 =	sor.u32 $0xD0000000, s2;
	s6 =	simm.s32 $0x108;
	_ =	swait.ge @!p0 [sflag:s8], $0x0  }
0x24: {  	s3 =	sadd.s32 $0x88, s3;
	s6 =	simm.s32 @!p1 $0x1082;
	[sflag:s4] =	ssyncset.s32 $0xFFFFF086  }
0x25: {  	[simem:s6], [sflag:s4] =	dma.local [hbm:s3], $0xF7A  }
0x26: {  	[smem:$0x3F9F] =	sst s1;
	(tag) =	ssettag s2;
	_ =	strace s9  }
0x27: {  	s1 =	sld [smem:$0x3FAF]  }
0x28: {  	s2 =	sld [smem:$0x3FB0]  }
0x29: {  	s4 =	sld [smem:$0x3FB2]  }
0x2a: {  	p0 =	seq.s32 s5, $0x0;
	s5 =	sld [smem:$0x3FB3]  }
0x2b: {  	s6 =	sld [smem:$0x3FB4]  }
0x2c: {  	s7 =	sld [smem:$0x3FB5]  }
0x2d: {  	s3 =	simm.s32 $0x108;
	s8 =	sld [smem:$0x3FB6]  }
0x2e: {  	s3 =	simm.s32 @!p0 $0x1082;
	s9 =	sld [smem:$0x3FB7]  }
0x2f: {  	lr =	sadd.s32 s0, s3;
	s0 =	sld [smem:$0x3FAE]  }
0x30: {  	s3 =	sld [smem:$0x3FB1]  }
0x31: {  	[smem:$0x3FBA] =	sst s10  }
0x32: {  	s10 =	sld [smem:$0x3FB8];
	_ =	sdelay $0x3  }
0x33: {  	p0 =	seq.s32 s10, $0x1;
	s10 =	sld [smem:$0x3FBA];
	_ =	sdelay $0x3  }
0x34: {  	[smem:$0x3FBA] =	sst s10  }
0x35: {  	s10 =	sld [smem:$0x3FB9];
	_ =	sdelay $0x3  }
0x36: {  	p1 =	seq.s32 s10, $0x1;
	s10 =	sld [smem:$0x3FBA];
	_ =	sdelay $0x3  }
0x37: {  	[smem:$0x3FBA] =	sst s10  }
0x38: {  	s10 =	sld [smem:$0x3FBB]  }
0x39: {  	_ = 	snop;
	(pc) =	sbr.ind lr, $3  }
0x3a: {  	_ = 	snop  }
0x3b: {  	_ = 	snop  }
0x3c: {  	p2 =	seq.s32 s10, $0x1;
	s10 =	sld [smem:$0x3FBA]  }
0x3d: {  	_ =	shalt  }
0x3e: {  	_ =	shalt  }
0x3f: {  	_ =	shalt  }
0x40: {  	_ =	shalt  }
0x41: {  	_ =	shalt  }
0x42: {  	_ =	shalt  }
0x43: {  	_ =	shalt  }
0x44: {  	_ =	shalt  }
0x45: {  	_ =	shalt  }
0x46: {  	_ =	shalt  }
0x47: {  	_ =	shalt  }
0x48: {  	_ =	shalt  }
0x49: {  	_ =	shalt  }
0x4a: {  	_ =	shalt  }
0x4b: {  	_ =	shalt  }
0x4c: {  	_ =	shalt  }
0x4d: {  	_ =	shalt  }
0x4e: {  	_ =	shalt  }
0x4f: {  	_ =	shalt  }
0x50: {  	_ =	shalt  }
0x51: {  	_ =	shalt  }
0x52: {  	_ =	shalt  }
0x53: {  	_ =	shalt  }
0x54: {  	_ =	shalt  }
0x55: {  	_ =	shalt  }
0x56: {  	_ =	shalt  }
0x57: {  	_ =	shalt  }
0x58: {  	_ =	shalt  }
0x59: {  	_ =	shalt  }
0x5a: {  	_ =	shalt  }
0x5b: {  	_ =	shalt  }
0x5c: {  	_ =	shalt  }
0x5d: {  	_ =	shalt  }
0x5e: {  	_ =	shalt  }
0x5f: {  	_ =	shalt  }
0x60: {  	_ =	shalt  }
0x61: {  	_ =	shalt  }
0x62: {  	_ =	shalt  }
0x63: {  	_ =	shalt  }
0x64: {  	_ =	shalt  }
0x65: {  	_ =	shalt  }
0x66: {  	_ =	shalt  }
0x67: {  	_ =	shalt  }
0x68: {  	_ =	shalt  }
0x69: {  	_ =	shalt  }
0x6a: {  	_ =	shalt  }
0x6b: {  	_ =	shalt  }
0x6c: {  	_ =	shalt  }
0x6d: {  	_ =	shalt  }
0x6e: {  	_ =	shalt  }
0x6f: {  	_ =	shalt  }
0x70: {  	_ =	shalt  }
0x71: {  	_ =	shalt  }
0x72: {  	_ =	shalt  }
0x73: {  	_ =	shalt  }
0x74: {  	_ =	shalt  }
0x75: {  	_ =	shalt  }
0x76: {  	_ =	shalt  }
0x77: {  	_ =	shalt  }
0x78: {  	_ =	shalt  }
0x79: {  	_ =	shalt  }
0x7a: {  	_ =	shalt  }
0x7b: {  	_ =	shalt  }
0x7c: {  	_ =	shalt  }
0x7d: {  	_ =	shalt  }
0x7e: {  	_ =	shalt  }
0x7f: {  	_ =	shalt  }
0x80: {  	_ =	shalt  }
0x81: {  	_ =	shalt  }
0x82: {  	_ =	shalt  }
0x83: {  	_ =	shalt  }
0x84: {  	_ =	shalt  }
0x85: {  	_ =	shalt  }
0x86: {  	_ =	shalt  }
0x87: {  	_ =	shalt  }
.Lfunc_end0:
.L_simem_size_0:
called_computation_lowered:
.L_overlay_start_0:
0x88: {  	s2 =	sld [smem:$0x3FD9]  }
0x89: {  	s3 =	sld [smem:$0x3FFE];
	_ =	sdelay $0x1  }
0x8a: {  	s1 =	srdreg.scid  }
0x8b: {  	s0 =	sand.u32 $0x1, s1  }
0x8c: {  	s17 =	sshll.u32 s0, $0xA;
	s2 =	sadd.s32 s3, s2  }
0x8d: {  	s2 =	sadd.s32 s2, s17  }
0x8e: {  	[smem:$0x3FC6] =	sst s2  }
0x8f: {  	_ = 	snop  }
0x90: {  	s2 =	sld [smem:$0x3FD0];
	(tm) =	ssettm $0x1  }
0x91: {  	s18 =	sld [smem:$0x3FFB];
	_ =	sdelay $0x3  }
0x92: {  	_ =	strace s18  }
0x93: {  	s3 =	sld [smem:$0x3FFC];
	_ =	sdelay $0x3  }
0x94: {  	_ =	strace s3  }
0x95: {  	s3 =	sld [smem:$0x3FFD];
	_ =	sdelay $0x3  }
0x96: {  	_ =	strace s3  }
0x97: {  	_ =	strace $0x8FFFFFFF  }
0x98: {  	s19 =	sld [smem:$0x3FDB];
	_ =	sdelay $0x1  }
0x99: {  	s4 =	simm.s32 $_scs_section_size  }
0x9a: {  	s5 =	simm.s32 $_size__tile_overlayer_lowered;
	s6 =	simm.s32 $_tile_overlayer_lowered  }
0x9b: {  	s22 =	simm.s32 $0x1BFF;
	s21 =	sshll.u32 s6, $0x1;
	s3 =	sadd.s32 s4, s19  }
0x9c: {  	s7 =	simm.s32 $0x0;
	s20 =	sshll.u32 s5, $0x1;
	s5 =	sadd.s32 s21, s3  }
0x9d: {  	[timem:s7], [sflag:s22] =	dma.local [hbm:s5], s20  }
0x9e: {  	_ =	swait.ge [sflag:s22], s20  }
0x9f: {  	s4 =	ssub.s32 $0x0, s20;
	[sflag:s22] =	ssyncset.done $0x0  }
0xa0: {  	[sflag:s22] =	ssyncadd.s32 s4;
	_ =	sdelay $0x1  }
0xa1: {  	s23 =	simm.s32 $0x1B8B  }
0xa2: {  	_ =	swait.ge [sflag:s23], $0x1  }
0xa3: {  	[sflag:s23] =	ssyncset.done $0x0  }
0xa4: {  	s25 =	simm.s32 $0x1B8E;
	s24 =	sld [smem:$0x3FFE];
	[sflag:s23] =	ssyncadd.s32 $0xFFFFFFFF  }
0xa5: {  	s26 =	simm.s32 $execute0_lowered;
	[smem:$0x3FD2] =	sst s25  }
0xa6: {  	s5 =	sshll.u32 s26, $0x1;
	_ =	strace $0x80000046;
	[dreg:$0x1] =	wrdreg $0xFFFFFFFF  }
0xa7: {  	s28 =	simm.s32 $_size_execute0_lowered;
	s3 =	sadd.s32 s3, s5;
	[dreg:$0x0] =	wrdreg $0x0  }
0xa8: {  	s5 =	sshll.u32 s28, $0x1;
	[dreg:$0x2] =	wrdreg s3  }
0xa9: {  	[dreg:$0x3] =	wrdreg s5  }
0xaa: {  	[dreg:$0x4] =	wrdreg $0xC0  }
0xab: {  	_ =	task [dreg:s7], $0x5FFFF  }
0xac: {  	[dreg:$0x1] =	wrdreg $0xFFFFFFFF  }
0xad: {  	[dreg:$0x0] =	wrdreg $0x60  }
0xae: {  	[dreg:$0x2] =	wrdreg s24  }
0xaf: {  	[dreg:$0x3] =	wrdreg s2  }
0xb0: {  	[dreg:$0x4] =	wrdreg $0x9  }
0xb1: {  	_ =	task.clear_ibuf [dreg:s7], $0x5FFFF;
	_ =	strace $0x90000046  }
0xb2: {  	s29 =	simm.s32 $0x9;
	_ =	strace $0x80000048  }
0xb3: {  	_ =	swait.ge [sflag:s29], $0x1  }
0xb4: {  	[sflag:s29] =	ssyncadd.s32 $0xFFFFFFFF  }
0xb5: {  	_ =	strace $0x90000048  }
0xb6: {  	_ =	sfence  }
0xb7: {  	s30 =	sld [smem:$0x0];
	_ =	sdelay $0x2  }
0xb8: {  	s31 =	sshll.u32 s1, $0xD;
	s1 =	sshrl.u32 s1, $0x2  }
0xb9: {  	s3 =	sand.u32 $0x4000, s31;
	s1 =	sadd.s32 s1, s30  }
0xba: {  	s0 =	sor.u32 s3, s0;
	s1 =	sshll.u32 s1, $0x11  }
0xbb: {  	s0 =	sor.u32 s1, s0  }
0xbc: {  	s0 =	sadd.s32 $0x8F2B, s0  }
0xbd: {  	[sflag:s0] =	ssyncadd.remote.s32 $0x1  }
0xbe: {  	_ =	sfence.sel $0xFFFF  }
0xbf: {  	[dreg:$0x0] =	wrdreg $0xFFFFFFFF;
	(pc) =	sbr.abs _section_cstart, $3  }
0xc0: {  	[dreg:$0x1] =	wrdreg $0xFFFFFFFF  }
0xc1: {  	_ =	task.clear_ibuf [dreg:s7], $0x2FFFF;
	_ =	strace $0x9FFFFFFF  }
0xc2: {  	(tm) =	ssettm $0x7FFFFFFF  }
0xc3: {  	_ =	shalt  }
tec
execute0_lowered:
.L_overlay_start_1:
0x0: {  	(tag) =	ssettag $0x1  }
0x1: {  	s5 =	rddreg [dreg:$0x0]  }
0x2: {  	s1 =	rddreg [dreg:$0x1]  }
0x3: {  	s0 =	rddreg [dreg:$0x2]  }
0x4: {  	s3 =	simm.s32 $0x0;
	s4 =	srdreg.scid;
	s2 =	stileid.u32  }
0x5: {  	s12 =	simm.s32 $0x10000;
	s13 =	simm.s32 $0x8000;
	s14 =	simm.s32 $0x10100  }
0x6: {  	s15 =	simm.s32 $0x1;
	s16 =	simm.s32 $0x2;
	s17 =	simm.s32 $0x3  }
0x7: {  	s18 =	simm.s32 $0x4;
	s19 =	simm.s32 $0x0;
	[smem:$0x7FF] =	sst s3  }
0x8: {  	s6 =	sand.u32 $0x1, s4;
	s4 =	sadd.s32 $0x400, s5;
	s7 =	sshll.u32 s2, $0x10  }
0x9: {  	s5 =	sadd.s32 $0x1000400, s5;
	s8 =	sshll.u32 s6, $0xF;
	s6 =	ssub.s32 $0x2, s6  }
0xa: {  	_ =	strace $0x80000047;
	s11 =	sor.u32 s8, s7;
	s31 =	sshrl.u32 s6, $0x1  }
0xb: {  	s8 =	sshll.u32 s11, $0x4;
	s9 =	sshrl.u32 s11, $0x3;
	s10 =	ssub.s32 s6, s31  }
0xc: {  	v0 =	vlaneseq.u32;
	s6 =	sadd.s32 s4, s8;
	s7 =	sadd.s32 s1, s9;
	s8 =	sadd.s32 s5, s8  }
0xd: {  	v1 =	vimm.f32 $-5.000000000e-01;
	v2 =	vimm.s32 $0x0;
	v0 =	vmul.u32 $0x80, v0;
	s9 =	sor.u32 $0x200, s11;
	s10 =	smax.u32 s10, $0x1;
	s11 =	sor.u32 $0x100, s11  }
.LBB2_1:
0xe: {  	[tilespmem:s3], [sflag:$0x1] =	stream.linear.gather [hbm4b:s6+s3], $0x8000, $0x38;
	[tilespmem:$0x10200] =	vst v63  }
0xf: {  	s20 =	simm.s32 $0x0  }
0x10: {  	[tilespmem:s12], [sflag:$0x1] =	stream.linear.gather [hbm4b:s7+s3], $0x100, $0x38;
	[tilespmem:$0x10200] =	vst v63  }
.LBB2_2:
0x11: {  	p0 =	seq.s32 s20, $0x0  }
0x12: {  	s22 =	sshll.u32 s20, $0x9;
	s23 =	simm.s32 @!p0 $0x4  }
0x13: {  	s24 =	sor.u32 s11, s22;
	_ =	swait.ge @!p0 [sflag:s23], $0x8000  }
0x14: {  	s21 =	sshll.u32 s24, $0x4;
	s24 =	sshrl.u32 s24, $0x3;
	[sflag:s23] =	ssyncset.done @!p0 $0x0  }
0x15: {  	s25 =	sadd.s32 s4, s21;
	[sflag:s23] =	ssyncadd.s32 @!p0 $0xFFFF8000;
	s23 =	simm.s32 $0x0  }
0x16: {  	[tilespmem:s13], [sflag:$0x2] =	stream.linear.gather [hbm4b:s25+s23], $0x8000, $0x38;
	[tilespmem:$0x10200] =	vst v63  }
0x17: {  	s24 =	sadd.s32 s1, s24  }
0x18: {  	[tilespmem:s14], [sflag:$0x2] =	stream.linear.gather [hbm4b:s24+s23], $0x100, $0x38;
	[tilespmem:$0x10200] =	vst v63  }
0x19: {  	_ =	swait.ge [sflag:s15], $0x8000  }
0x1a: {  	[sflag:s15] =	ssyncset.done $0x0  }
0x1b: {  	[sflag:s15] =	ssyncadd.s32 $0xFFFF8000  }
0x1c: {  	_ =	swait.ge [sflag:s15], $0x100  }
0x1d: {  	[sflag:s15] =	ssyncset.done $0x0  }
0x1e: {  	s25 =	simm.s32 $0x10020;
	s24 =	simm.s32 $0xFFFFFFFC;
	[sflag:s15] =	ssyncadd.s32 $0xFFFFFF00  }
.LBB2_3:
0x1f: {  	v3 =	vmov s23  }
0x20: {  	v3 =	vshll.u32 v3, $0x7  }
0x21: {  	v22 =	vor.u32 v0, v3  }
0x22: {  	v28 =	vor.u32 $0xC, v22;
	_ =	sdelay $0x4  }
0x23: {  	v3 =	vld.idx.msk [tilespmem:v28+s3+$0x0], $0xffff;
	_ =	sdelay $0x4  }
0x24: {  	vm0 =	vge.f32 v3, $0.0e+00  }
0x25: {  	v4 =	vsel vm0, $0x3F000000, v1  }
0x26: {  	v4 =	vadd.f32 v4, v3;
	_ =	sdelay $0x1  }
0x27: {  	v4 =	vtrunc.f32 v4  }
0x28: {  	v4 =	vcvt.f32.s32 v4;
	_ =	sdelay $0x1  }
0x29: {  	v5 =	vcvt.s32.f32 v4;
	_ =	sdelay $0x1  }
0x2a: {  	v3 =	vsub.f32 v3, v5;
	_ =	sdelay $0x1  }
0x2b: {  	v3 =	vmul.f32 $1.570796370e+00, v3;
	_ =	sdelay $0x1  }
0x2c: {  	v43 =	vmul.f32 v3, v3;
	_ =	sdelay $0x1  }
0x2d: {  	v6 =	vmul.f32 $1.984127010e-04, v43  }
0x2e: {  	v7 =	vmul.f32 $1.388888920e-03, v43  }
0x2f: {  	v6 =	vsub.f32 $8.333333770e-03, v6  }
0x30: {  	v7 =	vsub.f32 $4.166666790e-02, v7  }
0x31: {  	v6 =	vmul.f32 v6, v43  }
0x32: {  	v7 =	vmul.f32 v7, v43  }
0x33: {  	v6 =	vadd.f32 $-1.666666720e-01, v6  }
0x34: {  	v7 =	vadd.f32 $-5.000000000e-01, v7  }
0x35: {  	v29 =	vor.u32 $0x1, v22;
	v6 =	vmul.f32 v6, v43  }
0x36: {  	v26 =	vor.u32 $0x3, v22;
	v5 =	vmul.f32 v7, v43  }
0x37: {  	v25 =	vor.u32 $0x4, v22;
	v6 =	vadd.f32 $1.000000000e+00, v6  }
0x38: {  	s26 =	sadd.s32 $0x10, s23;
	v5 =	vadd.f32 $1.000000000e+00, v5  }
0x39: {  	v38 =	vmov s26;
	v27 =	vor.u32 $0x2, v22;
	v30 =	vld.idx.msk [tilespmem:v22+s3+$0x0], $0xffff;
	v3 =	vmul.f32 v6, v3  }
0x3a: {  	v24 =	vor.u32 $0x5, v22;
	v31 =	vld.idx.msk [tilespmem:v29+s3+$0x0], $0xffff;
	v4 =	vand.u32 $0x3, v4;
	v44 =	vsub.f32 $0.0e+00, v5  }
0x3b: {  	v19 =	vor.u32 $0x6, v22;
	v32 =	vld.idx.msk [tilespmem:v26+s3+$0x0], $0xffff;
	vm15 =	veq.s32 v4, $0x2;
	v6 =	vsub.f32 $0.0e+00, v3  }
0x3c: {  	v21 =	vor.u32 $0x7, v22;
	v33 =	vld.idx.msk [tilespmem:v25+s3+$0x0], $0xffff;
	vm1 =	veq.s32 v4, $0x1;
	v9 =	vsel vm15, v44, v3  }
0x3d: {  	vm4 =	veq.s32 v4, $0x0;
	v7 =	vsel vm15, v6, v44;
	v45 =	vsel vm1, v6, v9  }
0x3e: {  	v17 =	vor.u32 $0x8, v22;
	v46 =	vsel vm1, v5, v7;
	v20 =	vsel vm4, v5, v45  }
0x3f: {  	v34 =	vld.idx.msk [tilespmem:v24+s3+$0x0], $0xffff;
	v23 =	vsel vm4, v3, v46;
	v3 =	vmul.f32 v20, v30;
	v49 =	vmul.f32 v20, v31  }
0x40: {  	v16 =	vor.u32 $0x9, v22;
	v35 =	vld.idx.msk [tilespmem:v27+s3+$0x0], $0xffff;
	v47 =	vmul.f32 v23, v31;
	v48 =	vmul.f32 v23, v30  }
0x41: {  	v15 =	vor.u32 $0xA, v22;
	v10 =	vor.u32 $0xB, v22;
	v18 =	vadd.f32 v33, v32  }
0x42: {  	v8 =	vor.u32 $0xD, v22;
	v3 =	vsub.f32 v3, v47;
	v50 =	vadd.f32 v48, v49  }
0x43: {  	v13 =	vor.u32 $0xE, v22;
	v14 =	vor.u32 $0xF, v22;
	v12 =	vor.u32 $0x10, v22  }
0x44: {  	v18 =	vadd.f32 v34, v18;
	v3 =	vand.u32 $0x7FFFFFFF, v3;
	v4 =	vand.u32 $0x7FFFFFFF, v50  }
0x45: {  	v36 =	vand.u32 $0x7FFFFFFF, v35;
	vm5 =	vgt.f32 v4, v3;
	v3 =	vmax.f32 v3, v4  }
0x46: {  	v18 =	vand.u32 $0x7FFFFFFF, v18;
	v52 =	vsub.f32 $0.0e+00, v20;
	v37 =	vmax.f32 v3, v36  }
0x47: {  	v51 =	vsel vm5, $0x1, v2;
	vm6 =	vgt.f32 v36, v3;
	vm7 =	vgt.f32 v18, v37  }
0x48: {  	v53 =	vsub.f32 $0.0e+00, v23;
	v36 =	vsel vm6, $0x2, v51;
	vm1 =	vmneg vm7  }
0x49: {  	v3 =	vshll.u32 v38, $0x7;
	v36 =	vnsel vm1, $0x3, v36;
	vm0 =	vmand vm1, vm6  }
0x4a: {  	v40 =	vld [tilespmem:s25+$0xFFFFFFE0];
	v3 =	vor.u32 v0, v3;
	vm8 =	veq.s32 v36, $0x1;
	v39 =	vsel vm0, v52, v53  }
0x4b: {  	v37 =	vsel vm0, v23, v52;
	vm9 =	veq.s32 v36, $0x0;
	v23 =	vsel vm8, v23, v39  }
0x4c: {  	v4 =	vor.u32 $0xC, v3;
	v37 =	vsel vm8, v20, v37;
	v39 =	vsel vm9, v20, v23  }
0x4d: {  	v36 =	vcvt.s32.f32 v36;
	v37 =	vsel vm9, v53, v37;
	v54 =	vmul.f32 v39, v30  }
0x4e: {  	v11 =	vor.u32 $0x11, v22;
	v43 =	vld.idx.msk [tilespmem:v19+s3+$0x0], $0xffff;
	v41 =	vmul.f32 v37, v31;
	v30 =	vmul.f32 v37, v30  }
0x4f: {  	vm10 =	vne.s32 v40, $0x0;
	v44 =	vld.idx.msk [tilespmem:v21+s3+$0x0], $0xffff;
	v31 =	vmul.f32 v39, v31;
	v55 =	vmul.f32 v39, v35  }
0x50: {  	v9 =	vor.u32 $0x12, v22;
	v46 =	vld.idx.msk [tilespmem:v17+s3+$0x0], $0xffff;
	v45 =	vmul.f32 v37, v32;
	v56 =	vmul.f32 v37, v35  }
0x51: {  	v57 =	vld.idx.msk [tilespmem:v16+s3+$0x0], $0xffff;
	v6 =	vor.u32 $0x14, v22;
	v32 =	vmul.f32 v39, v32;
	v58 =	vmul.f32 v39, v33  }
0x52: {  	v7 =	vor.u32 $0x13, v22;
	v42 =	vld.idx.msk [tilespmem:v4+s3+$0x0], $0xffff;
	v59 =	vmul.f32 v37, v34;
	v33 =	vmul.f32 v37, v33  }
0x53: {  	v5 =	vor.u32 $0x15, v22;
	v34 =	vmul.f32 v39, v34;
	v48 =	vmul.f32 v39, v43  }
0x54: {  	v47 =	vld.idx.msk [tilespmem:v15+s3+$0x0], $0xffff;
	v18 =	vor.u32 $0x16, v22;
	v51 =	vmul.f32 v37, v44;
	v43 =	vmul.f32 v37, v43  }
0x55: {  	v50 =	vld.idx.msk [tilespmem:v10+s3+$0x0], $0xffff;
	v20 =	vor.u32 $0x17, v22;
	v60 =	vmul.f32 v39, v44;
	v61 =	vmul.f32 v39, v46  }
0x56: {  	v23 =	vor.u32 $0x18, v22;
	v62 =	vmul.f32 v37, v57;
	v35 =	vmul.f32 v39, v57  }
0x57: {  	v52 =	vld.idx.msk [tilespmem:v8+s3+$0x0], $0xffff;
	v38 =	vsub.f32 v54, v41;
	v30 =	vadd.f32 v31, v30;
	vm11 =	vge.f32 v42, $0.0e+00  }
0x58: {  	v53 =	vld.idx.msk [tilespmem:v13+s3+$0x0], $0xffff;
	v40 =	vsub.f32 v55, v45;
	v31 =	vadd.f32 v32, v56;
	v49 =	vsel vm11, $0x3F000000, v1  }
0x59: {  	v63 =	vmul.f32 v39, v47;
	v33 =	vadd.f32 v34, v33;
	v49 =	vadd.f32 v49, v42  }
0x5a: {  	v34 =	vmul.f32 v37, v46;
	v54 =	vld.idx.msk [tilespmem:v12+s3+$0x0], $0xffff;
	v43 =	vadd.f32 v60, v43;
	v60 =	vmul.f32 v37, v50  }
0x5b: {  	v56 =	vld.idx.msk [tilespmem:v11+s3+$0x0], $0xffff;
	v44 =	vsub.f32 v61, v62;
	v62 =	vmul.f32 v39, v50;
	v49 =	vtrunc.f32 v49  }
0x5c: {  	v41 =	vsub.f32 v58, v59;
	v50 =	vld.idx.msk [tilespmem:v9+s3+$0x0], $0xffff;
	v57 =	vmul.f32 v39, v52;
	v46 =	vcvt.f32.s32 v49  }
0x5d: {  	v34 =	vadd.f32 v35, v34;
	v35 =	vmul.f32 v37, v52;
	v52 =	vmul.f32 v39, v53  }
0x5e: {  	v48 =	vsub.f32 v48, v51;
	v61 =	vmul.f32 v37, v47;
	v49 =	vld.idx.msk [tilespmem:v14+s3+$0x0], $0xffff;
	v55 =	vcvt.s32.f32 v46  }
0x5f: {  	v58 =	vmul.f32 v37, v53;
	v35 =	vadd.f32 v52, v35;
	v47 =	vmul.f32 v37, v54  }
0x60: {  	v54 =	vmul.f32 v39, v54;
	v52 =	vmul.f32 v39, v56;
	v42 =	vsub.f32 v42, v55  }
0x61: {  	v53 =	vld.idx.msk [tilespmem:v7+s3+$0x0], $0xffff;
	v45 =	vadd.f32 v62, v61;
	v61 =	vmul.f32 v37, v50;
	v56 =	vmul.f32 v37, v56  }
0x62: {  	v59 =	vld.idx.msk [tilespmem:v5+s3+$0x0], $0xffff;
	v51 =	vsub.f32 v63, v60;
	v50 =	vmul.f32 v39, v50;
	v42 =	vmul.f32 $1.570796370e+00, v42  }
0x63: {  	v57 =	vsub.f32 v57, v58;
	v55 =	vld.idx.msk [tilespmem:v6+s3+$0x0], $0xffff;
	v32 =	vmul.f32 v39, v49;
	v49 =	vmul.f32 v37, v49  }
0x64: {  	v60 =	vld.idx.msk [tilespmem:v18+s3+$0x0], $0xffff;
	v52 =	vsub.f32 v52, v61;
	v50 =	vadd.f32 v50, v56;
	v58 =	vmul.f32 v42, v42  }
0x65: {  	v62 =	vld.idx.msk [tilespmem:v20+s3+$0x0], $0xffff;
	v47 =	vsub.f32 v32, v47;
	v49 =	vadd.f32 v54, v49  }
0x66: {  	v54 =	vld.idx.msk [tilespmem:v23+s3+$0x0], $0xffff;
	[tilespmem:v28+s3+$0x0] =	vst.idx.msk vm10, v36;
	v28 =	vmul.f32 v39, v53;
	v63 =	vmul.f32 $1.984127010e-04, v58  }
0x67: {  	v53 =	vmul.f32 v37, v53;
	[tilespmem:v22+s3+$0x0] =	vst.idx.msk vm10, v38;
	v38 =	vmul.f32 v39, v59;
	v22 =	vor.u32 $0x7, v3  }
0x68: {  	v61 =	vmul.f32 v39, v55;
	[tilespmem:v29+s3+$0x0] =	vst.idx.msk vm10, v30;
	v36 =	vmul.f32 $1.388888920e-03, v58;
	v32 =	vsub.f32 $8.333333770e-03, v63  }
0x69: {  	v29 =	vmul.f32 v37, v59;
	v59 =	vmul.f32 v39, v60;
	[tilespmem:v27+s3+$0x0] =	vst.idx.msk vm10, v40;
	v27 =	vor.u32 $0xB, v3  }
0x6a: {  	v63 =	vmul.f32 v37, v55;
	v36 =	vsub.f32 $4.166666790e-02, v36;
	v32 =	vmul.f32 v32, v58  }
0x6b: {  	[tilespmem:v26+s3+$0x0] =	vst.idx.msk vm10, v31;
	v31 =	vor.u32 $0x9, v3;
	v55 =	vmul.f32 v37, v60;
	v60 =	vmul.f32 v39, v62  }
0x6c: {  	[tilespmem:v25+s3+$0x0] =	vst.idx.msk vm10, v41;
	v28 =	vsub.f32 v28, v63;
	v56 =	vmul.f32 v36, v58;
	v63 =	vadd.f32 $-1.666666720e-01, v32  }
0x6d: {  	v25 =	vor.u32 $0x6, v3;
	[tilespmem:v24+s3+$0x0] =	vst.idx.msk vm10, v33;
	v24 =	vor.u32 $0x3, v3;
	v33 =	vor.u32 $0x2, v3  }
0x6e: {  	v36 =	vadd.f32 v61, v53;
	v30 =	vmul.f32 v63, v58;
	v63 =	vadd.f32 $-5.000000000e-01, v56  }
0x6f: {  	v61 =	vmul.f32 v37, v54;
	v26 =	vsub.f32 v38, v55;
	v32 =	vor.u32 $0x1, v3  }
0x70: {  	v38 =	vadd.f32 v59, v29;
	[tilespmem:v19+s3+$0x0] =	vst.idx.msk vm10, v48;
	v56 =	vadd.f32 $1.000000000e+00, v30;
	v59 =	vmul.f32 v63, v58  }
0x71: {  	v40 =	vld.idx.msk [tilespmem:v3+s3+$0x0], $0xffff;
	v19 =	vor.u32 $0x4, v3;
	v48 =	vand.u32 $0x3, v46;
	[tilespmem:v21+s3+$0x0] =	vst.idx.msk vm10, v43;
	v41 =	vsub.f32 v60, v61  }
0x72: {  	v60 =	vmul.f32 v37, v62;
	[tilespmem:v17+s3+$0x0] =	vst.idx.msk vm10, v44;
	v62 =	vmul.f32 v56, v42;
	v63 =	vadd.f32 $1.000000000e+00, v59  }
0x73: {  	v21 =	vor.u32 $0x5, v3;
	vm12 =	veq.s32 v48, $0x2;
	v61 =	vmul.f32 v39, v54;
	[tilespmem:v16+s3+$0x0] =	vst.idx.msk vm10, v34;
	v34 =	vld.idx.msk [tilespmem:v24+s3+$0x0], $0xffff  }
0x74: {  	vm2 =	veq.s32 v48, $0x1;
	v42 =	vld.idx.msk [tilespmem:v32+s3+$0x0], $0xffff;
	v53 =	vsub.f32 $0.0e+00, v62;
	v54 =	vsub.f32 $0.0e+00, v63  }
0x75: {  	vm13 =	veq.s32 v48, $0x0;
	v39 =	vadd.f32 v61, v60;
	[tilespmem:v15+s3+$0x0] =	vst.idx.msk vm10, v51;
	v48 =	vld.idx.msk [tilespmem:v33+s3+$0x0], $0xffff;
	v15 =	vor.u32 $0xD, v3  }
0x76: {  	v43 =	vld.idx.msk [tilespmem:v19+s3+$0x0], $0xffff;
	[tilespmem:v10+s3+$0x0] =	vst.idx.msk vm10, v45;
	v55 =	vsel vm12, v54, v62;
	v29 =	vsel vm12, v53, v54  }
0x77: {  	v10 =	vor.u32 $0xE, v3;
	[tilespmem:v8+s3+$0x0] =	vst.idx.msk vm10, v57;
	v16 =	vsel vm2, v53, v55;
	v56 =	vsel vm2, v63, v29  }
0x78: {  	v46 =	vld.idx.msk [tilespmem:v21+s3+$0x0], $0xffff;
	[tilespmem:v13+s3+$0x0] =	vst.idx.msk vm10, v35;
	v37 =	vsel vm13, v63, v16;
	v44 =	vsel vm13, v62, v56  }
0x79: {  	v30 =	vor.u32 $0x8, v3;
	[tilespmem:v14+s3+$0x0] =	vst.idx.msk vm10, v47;
	v16 =	vmul.f32 v37, v40;
	v17 =	vmul.f32 v44, v42  }
0x7a: {  	v8 =	vor.u32 $0x10, v3;
	[tilespmem:v12+s3+$0x0] =	vst.idx.msk vm10, v49;
	v58 =	vmul.f32 v44, v40;
	v59 =	vmul.f32 v37, v42  }
0x7b: {  	v13 =	vor.u32 $0x11, v3;
	v14 =	vor.u32 $0x12, v3;
	v61 =	vadd.f32 v43, v34;
	[tilespmem:v11+s3+$0x0] =	vst.idx.msk vm10, v52  }
0x7c: {  	v49 =	vand.u32 $0x7FFFFFFF, v48;
	[tilespmem:v9+s3+$0x0] =	vst.idx.msk vm10, v50;
	v17 =	vsub.f32 v16, v17;
	v60 =	vadd.f32 v58, v59  }
0x7d: {  	s30 =	sadd.s32 $0x20, s23;
	[tilespmem:v7+s3+$0x0] =	vst.idx.msk vm10, v28;
	v7 =	vor.u32 $0x13, v3;
	v28 =	vor.u32 $0x15, v3;
	v63 =	vadd.f32 v46, v61  }
0x7e: {  	v56 =	vmov s30;
	v17 =	vand.u32 $0x7FFFFFFF, v17;
	v62 =	vand.u32 $0x7FFFFFFF, v60  }
0x7f: {  	v57 =	vsub.f32 $0.0e+00, v37;
	v53 =	vand.u32 $0x7FFFFFFF, v63;
	v51 =	vmax.f32 v17, v62  }
0x80: {  	v58 =	vsub.f32 $0.0e+00, v44;
	vm14 =	vgt.f32 v62, v17;
	v54 =	vmax.f32 v51, v49  }
0x81: {  	v55 =	vsel vm14, $0x1, v2;
	vm15 =	vgt.f32 v49, v51;
	vm5 =	vgt.f32 v53, v54  }
0x82: {  	[tilespmem:v6+s3+$0x0] =	vst.idx.msk vm10, v36;
	v59 =	vshll.u32 v56, $0x7;
	v9 =	vsel vm15, $0x2, v55;
	vm2 =	vmneg vm5  }
0x83: {  	[tilespmem:v5+s3+$0x0] =	vst.idx.msk vm10, v26;
	v5 =	vor.u32 v0, v59;
	v9 =	vnsel vm2, $0x3, v9;
	vm1 =	vmand vm2, vm15  }
0x84: {  	vm3 =	veq.s32 v9, $0x1;
	v60 =	vsel vm1, v57, v58;
	v11 =	vsel vm1, v44, v57  }
0x85: {  	[tilespmem:v18+s3+$0x0] =	vst.idx.msk vm10, v38;
	vm6 =	veq.s32 v9, $0x0;
	v18 =	vsel vm3, v44, v60;
	v11 =	vsel vm3, v37, v11  }
0x86: {  	v61 =	vld [tilespmem:s25+$0xFFFFFFF0];
	v6 =	vor.u32 $0xC, v5;
	v18 =	vsel vm6, v37, v18;
	v11 =	vsel vm6, v58, v11  }
0x87: {  	v29 =	vor.u32 $0xA, v3;
	v63 =	vld.idx.msk [tilespmem:v22+s3+$0x0], $0xffff;
	v37 =	vmul.f32 v18, v40;
	v52 =	vmul.f32 v11, v42  }
0x88: {  	v26 =	vor.u32 $0x16, v3;
	v62 =	vld.idx.msk [tilespmem:v25+s3+$0x0], $0xffff;
	v40 =	vmul.f32 v11, v40;
	v53 =	vmul.f32 v18, v42  }
0x89: {  	[tilespmem:v20+s3+$0x0] =	vst.idx.msk vm10, v41;
	v16 =	vor.u32 $0xF, v3;
	v54 =	vmul.f32 v18, v48;
	v55 =	vmul.f32 v11, v34  }
0x8a: {  	[tilespmem:v23+s3+$0x0] =	vst.idx.msk vm10, v39;
	v39 =	vld.idx.msk [tilespmem:v30+s3+$0x0], $0xffff;
	v56 =	vmul.f32 v11, v48;
	v34 =	vmul.f32 v18, v34  }
0x8b: {  	v20 =	vor.u32 $0x18, v3;
	v45 =	vld.idx.msk [tilespmem:v6+s3+$0x0], $0xffff;
	v57 =	vmul.f32 v18, v43;
	v58 =	vmul.f32 v11, v46  }
0x8c: {  	v47 =	vld.idx.msk [tilespmem:v31+s3+$0x0], $0xffff;
	v23 =	vor.u32 $0x17, v3;
	v59 =	vmul.f32 v11, v43;
	v60 =	vmul.f32 v18, v46  }
0x8d: {  	vm7 =	vne.s32 v61, $0x0;
	v46 =	vmul.f32 v18, v62;
	v61 =	vmul.f32 v11, v63  }
0x8e: {  	v50 =	vld.idx.msk [tilespmem:v27+s3+$0x0], $0xffff;
	v17 =	vor.u32 $0x14, v3;
	v36 =	vmul.f32 v11, v62;
	v12 =	vmul.f32 v18, v63  }
0x8f: {  	v49 =	vld.idx.msk [tilespmem:v16+s3+$0x0], $0xffff;
	v63 =	vmul.f32 v18, v39;
	v39 =	vmul.f32 v11, v39;
	v37 =	vsub.f32 v37, v52  }
0x90: {  	v48 =	vld.idx.msk [tilespmem:v29+s3+$0x0], $0xffff;
	vm8 =	vge.f32 v45, $0.0e+00;
	v40 =	vadd.f32 v53, v40;
	v41 =	vsub.f32 v54, v55  }
0x91: {  	v42 =	vld.idx.msk [tilespmem:v15+s3+$0x0], $0xffff;
	v34 =	vadd.f32 v34, v56;
	v38 =	vadd.f32 v60, v59;
	v60 =	vmul.f32 v11, v47  }
0x92: {  	v43 =	vld.idx.msk [tilespmem:v10+s3+$0x0], $0xffff;
	v35 =	vsub.f32 v57, v58;
	v62 =	vsel vm8, $0x3F000000, v1;
	v47 =	vmul.f32 v18, v47  }
0x93: {  	v9 =	vcvt.s32.f32 v9;
	v53 =	vld.idx.msk [tilespmem:v8+s3+$0x0], $0xffff;
	v52 =	vadd.f32 v62, v45;
	v44 =	vsub.f32 v63, v60  }
0x94: {  	v55 =	vld.idx.msk [tilespmem:v13+s3+$0x0], $0xffff;
	v63 =	vmul.f32 v11, v50;
	v39 =	vadd.f32 v47, v39;
	v47 =	vmul.f32 v18, v50  }
0x95: {  	v56 =	vld.idx.msk [tilespmem:v14+s3+$0x0], $0xffff;
	v46 =	vsub.f32 v46, v61;
	v61 =	vtrunc.f32 v52;
	v62 =	vmul.f32 v18, v48  }
0x96: {  	v12 =	vadd.f32 v12, v36;
	v57 =	vld.idx.msk [tilespmem:v17+s3+$0x0], $0xffff;
	v48 =	vmul.f32 v11, v48;
	v36 =	vmul.f32 v18, v42  }
0x97: {  	v58 =	vld.idx.msk [tilespmem:v28+s3+$0x0], $0xffff;
	v60 =	vmul.f32 v11, v43;
	v51 =	vcvt.f32.s32 v61  }
0x98: {  	v59 =	vld.idx.msk [tilespmem:v26+s3+$0x0], $0xffff;
	v42 =	vmul.f32 v11, v42;
	v43 =	vmul.f32 v18, v43;
	v54 =	vsub.f32 v62, v63  }
0x99: {  	v52 =	vld.idx.msk [tilespmem:v7+s3+$0x0], $0xffff;
	v47 =	vadd.f32 v47, v48;
	v48 =	vmul.f32 v18, v49;
	v50 =	vcvt.s32.f32 v51  }
0x9a: {  	v61 =	vld.idx.msk [tilespmem:v23+s3+$0x0], $0xffff;
	v62 =	vmul.f32 v11, v53;
	v42 =	vadd.f32 v43, v42;
	v43 =	vmul.f32 v18, v55  }
0x9b: {  	v63 =	vmul.f32 v11, v56;
	v45 =	vsub.f32 v45, v50;
	v50 =	vld.idx.msk [tilespmem:v20+s3+$0x0], $0xffff;
	[tilespmem:v4+s3+$0x0] =	vst.idx.msk vm7, v9  }
0x9c: {  	v4 =	vsub.f32 v36, v60;
	v9 =	vmul.f32 v11, v49;
	v60 =	vmul.f32 v18, v53  }
0x9d: {  	v36 =	vmul.f32 v11, v55;
	v45 =	vmul.f32 $1.570796370e+00, v45  }
0x9e: {  	v48 =	vsub.f32 v48, v62;
	v62 =	vmul.f32 v18, v52;
	v52 =	vmul.f32 v11, v52  }
0x9f: {  	v55 =	vmul.f32 v11, v59;
	[tilespmem:v3+s3+$0x0] =	vst.idx.msk vm7, v37;
	v53 =	vmul.f32 v45, v45  }
0xa0: {  	v9 =	vadd.f32 v60, v9;
	v60 =	vmul.f32 v18, v56;
	v56 =	vmul.f32 v11, v57  }
0xa1: {  	v3 =	vsub.f32 v43, v63;
	[tilespmem:v32+s3+$0x0] =	vst.idx.msk vm7, v40;
	v32 =	vmul.f32 v18, v57;
	v63 =	vmul.f32 $1.984127010e-04, v53  }
0xa2: {  	[tilespmem:v33+s3+$0x0] =	vst.idx.msk vm7, v41;
	v33 =	vor.u32 $0x4, v5;
	v49 =	vadd.f32 v60, v36;
	v60 =	vmul.f32 $1.388888920e-03, v53  }
0xa3: {  	v37 =	vsub.f32 v62, v56;
	v36 =	vmul.f32 v18, v58;
	[tilespmem:v24+s3+$0x0] =	vst.idx.msk vm7, v34;
	v57 =	vsub.f32 $8.333333770e-03, v63  }
0xa4: {  	v62 =	vmul.f32 v11, v58;
	v43 =	vadd.f32 v32, v52;
	[tilespmem:v19+s3+$0x0] =	vst.idx.msk vm7, v35;
	v63 =	vsub.f32 $4.166666790e-02, v60  }
0xa5: {  	v56 =	vmul.f32 v18, v59;
	v34 =	vor.u32 $0x3, v5;
	[tilespmem:v21+s3+$0x0] =	vst.idx.msk vm7, v38;
	v40 =	vmul.f32 v57, v53  }
0xa6: {  	v32 =	vor.u32 $0x5, v5;
	v24 =	vor.u32 $0xD, v5;
	[tilespmem:v25+s3+$0x0] =	vst.idx.msk vm7, v46;
	v60 =	vmul.f32 v63, v53  }
0xa7: {  	v58 =	vmul.f32 v11, v50;
	v41 =	vsub.f32 v36, v55;
	[tilespmem:v22+s3+$0x0] =	vst.idx.msk vm7, v12;
	v59 =	vadd.f32 $-1.666666720e-01, v40  }
0xa8: {  	v36 =	vor.u32 $0x1, v5;
	[tilespmem:v30+s3+$0x0] =	vst.idx.msk vm7, v44;
	v57 =	vmul.f32 v18, v61;
	v63 =	vadd.f32 $-5.000000000e-01, v60  }
0xa9: {  	v18 =	vmul.f32 v18, v50;
	v50 =	vadd.f32 v56, v62;
	v62 =	vmul.f32 v59, v53  }
0xaa: {  	v11 =	vmul.f32 v11, v61;
	v35 =	vor.u32 $0x2, v5;
	[tilespmem:v31+s3+$0x0] =	vst.idx.msk vm7, v39;
	v52 =	vmul.f32 v63, v53  }
0xab: {  	v19 =	vor.u32 $0xA, v5;
	v21 =	vor.u32 $0x9, v5;
	v39 =	vld.idx.msk [tilespmem:v5+s3+$0x0], $0xffff;
	[tilespmem:v29+s3+$0x0] =	vst.idx.msk vm7, v54;
	v46 =	vadd.f32 $1.000000000e+00, v62  }
0xac: {  	v25 =	vor.u32 $0x8, v5;
	v22 =	vor.u32 $0xE, v5;
	[tilespmem:v27+s3+$0x0] =	vst.idx.msk vm7, v47;
	v27 =	vld.idx.msk [tilespmem:v34+s3+$0x0], $0xffff;
	v53 =	vadd.f32 $1.000000000e+00, v52  }
0xad: {  	v12 =	vor.u32 $0x10, v5;
	v40 =	vadd.f32 v18, v11;
	v11 =	vmul.f32 v46, v45;
	v46 =	vld.idx.msk [tilespmem:v33+s3+$0x0], $0xffff  }
0xae: {  	v30 =	vor.u32 $0x6, v5;
	v29 =	vld.idx.msk [tilespmem:v36+s3+$0x0], $0xffff;
	v54 =	vand.u32 $0x3, v51;
	v56 =	vsub.f32 $0.0e+00, v53  }
0xaf: {  	v31 =	vor.u32 $0x7, v5;
	vm9 =	veq.s32 v54, $0x2;
	v55 =	vsub.f32 $0.0e+00, v11  }
0xb0: {  	v38 =	vsub.f32 v57, v58;
	vm10 =	veq.s32 v54, $0x1;
	v47 =	vld.idx.msk [tilespmem:v32+s3+$0x0], $0xffff;
	v45 =	vsel vm9, v56, v11  }
0xb1: {  	vm11 =	veq.s32 v54, $0x0;
	[tilespmem:v15+s3+$0x0] =	vst.idx.msk vm7, v4;
	v44 =	vsel vm9, v55, v56;
	v57 =	vsel vm10, v55, v45  }
0xb2: {  	v52 =	vld.idx.msk [tilespmem:v35+s3+$0x0], $0xffff;
	v44 =	vsel vm10, v53, v44;
	v45 =	vsel vm11, v53, v57;
	v53 =	vadd.f32 v46, v27  }
0xb3: {  	v44 =	vsel vm11, v11, v44;
	v58 =	vmul.f32 v45, v39;
	v61 =	vmul.f32 v45, v29  }
0xb4: {  	v18 =	vor.u32 $0xB, v5;
	[tilespmem:v10+s3+$0x0] =	vst.idx.msk vm7, v42;
	v59 =	vmul.f32 v44, v29;
	v60 =	vmul.f32 v44, v39  }
0xb5: {  	v15 =	vor.u32 $0xF, v5;
	v4 =	vor.u32 $0x15, v5;
	[tilespmem:v16+s3+$0x0] =	vst.idx.msk vm7, v48;
	v55 =	vadd.f32 v47, v53  }
0xb6: {  	v10 =	vor.u32 $0x12, v5;
	[tilespmem:v8+s3+$0x0] =	vst.idx.msk vm7, v9;
	v62 =	vsub.f32 v58, v59;
	v63 =	vadd.f32 v60, v61  }
0xb7: {  	v16 =	vor.u32 $0x16, v5;
	[tilespmem:v13+s3+$0x0] =	vst.idx.msk vm7, v3;
	v56 =	vand.u32 $0x7FFFFFFF, v52;
	v57 =	vand.u32 $0x7FFFFFFF, v55  }
0xb8: {  	[tilespmem:v14+s3+$0x0] =	vst.idx.msk vm7, v49;
	v61 =	vsub.f32 $0.0e+00, v45;
	v3 =	vand.u32 $0x7FFFFFFF, v62;
	v54 =	vand.u32 $0x7FFFFFFF, v63  }
0xb9: {  	s31 =	sadd.s32 $0x30, s23;
	v49 =	vld.idx.msk [tilespmem:v22+s3+$0x0], $0xffff;
	v62 =	vsub.f32 $0.0e+00, v44;
	vm12 =	vgt.f32 v54, v3;
	v3 =	vmax.f32 v3, v54  }
0xba: {  	v51 =	vld.idx.msk [tilespmem:v15+s3+$0x0], $0xffff;
	v59 =	vmax.f32 v3, v56;
	vm13 =	vgt.f32 v56, v3;
	v3 =	vmov s31  }
0xbb: {  	[tilespmem:v7+s3+$0x0] =	vst.idx.msk vm7, v37;
	v37 =	vld.idx.msk [tilespmem:v30+s3+$0x0], $0xffff;
	v58 =	vsel vm12, $0x1, v2;
	vm14 =	vgt.f32 v57, v59;
	v3 =	vshll.u32 v3, $0x7  }
0xbc: {  	[tilespmem:v17+s3+$0x0] =	vst.idx.msk vm7, v43;
	v43 =	vld.idx.msk [tilespmem:v24+s3+$0x0], $0xffff;
	v60 =	vsel vm13, $0x2, v58;
	vm2 =	vmneg vm14;
	v3 =	vor.u32 v0, v3  }
0xbd: {  	[tilespmem:v28+s3+$0x0] =	vst.idx.msk vm7, v41;
	v28 =	vld.idx.msk [tilespmem:v31+s3+$0x0], $0xffff;
	v63 =	vnsel vm2, $0x3, v60;
	vm1 =	vmand vm2, vm13;
	v7 =	vor.u32 $0xC, v3  }
0xbe: {  	v41 =	vld.idx.msk [tilespmem:v18+s3+$0x0], $0xffff;
	vm15 =	veq.s32 v63, $0x1;
	v55 =	vsel vm1, v61, v62;
	v13 =	vsel vm1, v44, v61  }
0xbf: {  	[tilespmem:v26+s3+$0x0] =	vst.idx.msk vm7, v50;
	vm4 =	veq.s32 v63, $0x0;
	v57 =	vsel vm15, v44, v55;
	v13 =	vsel vm15, v45, v13  }
0xc0: {  	[tilespmem:v23+s3+$0x0] =	vst.idx.msk vm7, v38;
	v38 =	vcvt.s32.f32 v63;
	v17 =	vsel vm4, v45, v57;
	v42 =	vsel vm4, v62, v13  }
0xc1: {  	v9 =	vor.u32 $0x13, v5;
	v56 =	vld [tilespmem:s25+$0x0];
	v58 =	vmul.f32 v17, v39;
	v59 =	vmul.f32 v42, v29  }
0xc2: {  	v8 =	vor.u32 $0x14, v5;
	v26 =	vld.idx.msk [tilespmem:v25+s3+$0x0], $0xffff;
	v39 =	vmul.f32 v42, v39;
	v29 =	vmul.f32 v17, v29  }
0xc3: {  	v14 =	vor.u32 $0x17, v5;
	v23 =	vld.idx.msk [tilespmem:v21+s3+$0x0], $0xffff;
	v60 =	vmul.f32 v17, v52;
	v61 =	vmul.f32 v42, v27  }
0xc4: {  	v11 =	vor.u32 $0x11, v5;
	v62 =	vmul.f32 v42, v52;
	v27 =	vmul.f32 v17, v27;
	v48 =	vld.idx.msk [tilespmem:v7+s3+$0x0], $0xffff  }
0xc5: {  	[tilespmem:v20+s3+$0x0] =	vst.idx.msk vm7, v40;
	v40 =	vld.idx.msk [tilespmem:v19+s3+$0x0], $0xffff;
	v63 =	vmul.f32 v17, v46;
	v46 =	vmul.f32 v42, v46  }
0xc6: {  	v53 =	vld.idx.msk [tilespmem:v10+s3+$0x0], $0xffff;
	vm0 =	vne.s32 v56, $0x0;
	v55 =	vmul.f32 v17, v37;
	v56 =	vmul.f32 v42, v28  }
0xc7: {  	v54 =	vld.idx.msk [tilespmem:v9+s3+$0x0], $0xffff;
	v13 =	vor.u32 $0x18, v5;
	v37 =	vmul.f32 v42, v37;
	v28 =	vmul.f32 v17, v28  }
0xc8: {  	v52 =	vld.idx.msk [tilespmem:v12+s3+$0x0], $0xffff;
	v50 =	vmul.f32 v17, v26;
	v26 =	vmul.f32 v42, v26;
	v44 =	vsub.f32 v58, v59  }
0xc9: {  	v29 =	vadd.f32 v29, v39;
	v20 =	vsub.f32 v60, v61;
	v39 =	vld.idx.msk [tilespmem:v11+s3+$0x0], $0xffff;
	vm5 =	vge.f32 v48, $0.0e+00  }
0xca: {  	v60 =	vmul.f32 v42, v47;
	v58 =	vld.idx.msk [tilespmem:v8+s3+$0x0], $0xffff;
	v55 =	vsub.f32 v55, v56;
	v61 =	vsel vm5, $0x3F000000, v1  }
0xcb: {  	v47 =	vmul.f32 v17, v47;
	v59 =	vld.idx.msk [tilespmem:v4+s3+$0x0], $0xffff;
	v28 =	vadd.f32 v28, v37;
	v57 =	vadd.f32 v61, v48  }
0xcc: {  	v37 =	vmul.f32 v17, v40;
	v45 =	vsub.f32 v63, v60;
	v60 =	vmul.f32 v42, v23;
	v56 =	vld.idx.msk [tilespmem:v13+s3+$0x0], $0xffff  }
0xcd: {  	v27 =	vadd.f32 v27, v62;
	v23 =	vmul.f32 v17, v23;
	v61 =	vld.idx.msk [tilespmem:v16+s3+$0x0], $0xffff;
	v62 =	vtrunc.f32 v57  }
0xce: {  	v57 =	vld.idx.msk [tilespmem:v14+s3+$0x0], $0xffff;
	[tilespmem:v6+s3+$0x0] =	vst.idx.msk vm0, v38;
	v6 =	vsub.f32 v50, v60;
	v38 =	vmul.f32 v42, v40  }
0xcf: {  	v50 =	vadd.f32 v23, v26;
	v23 =	vmul.f32 v17, v41;
	v26 =	vmul.f32 v17, v43  }
0xd0: {  	v60 =	vmul.f32 v42, v49;
	v43 =	vmul.f32 v42, v43  }
0xd1: {  	v46 =	vadd.f32 v47, v46;
	v47 =	vcvt.f32.s32 v62;
	v62 =	vmul.f32 v42, v41;
	[tilespmem:v5+s3+$0x0] =	vst.idx.msk vm0, v44  }
0xd2: {  	v44 =	vmul.f32 v42, v58;
	v5 =	vadd.f32 v23, v38;
	v23 =	vmul.f32 v42, v52  }
0xd3: {  	[tilespmem:v36+s3+$0x0] =	vst.idx.msk vm0, v29;
	v63 =	vcvt.s32.f32 v47;
	v37 =	vsub.f32 v37, v62;
	v62 =	vmul.f32 v17, v52  }
0xd4: {  	v52 =	vmul.f32 v17, v53;
	[tilespmem:v35+s3+$0x0] =	vst.idx.msk vm0, v20;
	v20 =	vmul.f32 v42, v54  }
0xd5: {  	[tilespmem:v34+s3+$0x0] =	vst.idx.msk vm0, v27;
	v40 =	vsub.f32 v48, v63;
	v63 =	vmul.f32 v17, v49  }
0xd6: {  	v49 =	vmul.f32 v17, v51;
	[tilespmem:v33+s3+$0x0] =	vst.idx.msk vm0, v45;
	v34 =	vmul.f32 v42, v57  }
0xd7: {  	[tilespmem:v32+s3+$0x0] =	vst.idx.msk vm0, v46;
	v38 =	vmul.f32 $1.570796370e+00, v40;
	v40 =	vsub.f32 v26, v60;
	v60 =	vmul.f32 v42, v51  }
0xd8: {  	v43 =	vadd.f32 v63, v43;
	v63 =	vmul.f32 v17, v39;
	v51 =	vmul.f32 v42, v53  }
0xd9: {  	v49 =	vsub.f32 v49, v23;
	v39 =	vmul.f32 v42, v39;
	v48 =	vmul.f32 v38, v38  }
0xda: {  	v27 =	vor.u32 $0x3, v3;
	v23 =	vmul.f32 v17, v54;
	[tilespmem:v30+s3+$0x0] =	vst.idx.msk vm0, v55;
	v55 =	vmul.f32 v42, v59  }
0xdb: {  	v26 =	vor.u32 $0x2, v3;
	v36 =	vadd.f32 v62, v60;
	v53 =	vmul.f32 $1.984127010e-04, v48  }
0xdc: {  	[tilespmem:v31+s3+$0x0] =	vst.idx.msk vm0, v28;
	v28 =	vor.u32 $0x7, v3;
	v41 =	vsub.f32 v63, v51;
	v39 =	vadd.f32 v52, v39  }
0xdd: {  	v60 =	vmul.f32 v17, v58;
	v54 =	vmul.f32 $1.388888920e-03, v48;
	v29 =	vsub.f32 $8.333333770e-03, v53  }
0xde: {  	v62 =	vmul.f32 v17, v59;
	v63 =	vmul.f32 v42, v61;
	v33 =	vsub.f32 v23, v44  }
0xdf: {  	v58 =	vmul.f32 v17, v61;
	v52 =	vsub.f32 $4.166666790e-02, v54;
	v29 =	vmul.f32 v29, v48  }
0xe0: {  	v23 =	vor.u32 $0x1, v3;
	[tilespmem:v25+s3+$0x0] =	vst.idx.msk vm0, v6;
	v25 =	vor.u32 $0x6, v3;
	v6 =	vor.u32 $0x8, v3  }
0xe1: {  	[tilespmem:v21+s3+$0x0] =	vst.idx.msk vm0, v50;
	v35 =	vadd.f32 v60, v20;
	v54 =	vmul.f32 v52, v48;
	v53 =	vadd.f32 $-1.666666720e-01, v29  }
0xe2: {  	v32 =	vsub.f32 v62, v63;
	v63 =	vmul.f32 v42, v56;
	v42 =	vld.idx.msk [tilespmem:v3+s3+$0x0], $0xffff;
	[tilespmem:v19+s3+$0x0] =	vst.idx.msk vm0, v37  }
0xe3: {  	v21 =	vor.u32 $0x5, v3;
	[tilespmem:v18+s3+$0x0] =	vst.idx.msk vm0, v5;
	v45 =	vld.idx.msk [tilespmem:v26+s3+$0x0], $0xffff;
	v60 =	vadd.f32 $-5.000000000e-01, v54;
	v59 =	vmul.f32 v53, v48  }
0xe4: {  	v30 =	vadd.f32 v58, v55;
	v20 =	vor.u32 $0x4, v3;
	v19 =	vor.u32 $0xA, v3;
	[tilespmem:v24+s3+$0x0] =	vst.idx.msk vm0, v40;
	v40 =	vld.idx.msk [tilespmem:v27+s3+$0x0], $0xffff  }
0xe5: {  	v5 =	vor.u32 $0x9, v3;
	v37 =	vld.idx.msk [tilespmem:v23+s3+$0x0], $0xffff;
	v62 =	vmul.f32 v60, v48;
	v61 =	vadd.f32 $1.000000000e+00, v59  }
0xe6: {  	v18 =	vor.u32 $0xB, v3;
	v24 =	vor.u32 $0xE, v3;
	[tilespmem:v22+s3+$0x0] =	vst.idx.msk vm0, v43;
	v50 =	vld.idx.msk [tilespmem:v25+s3+$0x0], $0xffff;
	v22 =	vor.u32 $0xD, v3  }
0xe7: {  	[tilespmem:v15+s3+$0x0] =	vst.idx.msk vm0, v49;
	v49 =	vmul.f32 v17, v56;
	v53 =	vadd.f32 $1.000000000e+00, v62;
	v38 =	vmul.f32 v61, v38  }
0xe8: {  	v46 =	vld.idx.msk [tilespmem:v6+s3+$0x0], $0xffff;
	v15 =	vor.u32 $0x11, v3;
	[tilespmem:v12+s3+$0x0] =	vst.idx.msk vm0, v36;
	v12 =	vor.u32 $0x13, v3;
	v29 =	vmul.f32 v17, v57  }
0xe9: {  	v43 =	vld.idx.msk [tilespmem:v20+s3+$0x0], $0xffff;
	v54 =	vand.u32 $0x3, v47;
	v57 =	vsub.f32 $0.0e+00, v53;
	v55 =	vsub.f32 $0.0e+00, v38  }
0xea: {  	v56 =	vld.idx.msk [tilespmem:v19+s3+$0x0], $0xffff;
	v17 =	vor.u32 $0x12, v3;
	vm6 =	veq.s32 v54, $0x2;
	vm7 =	veq.s32 v54, $0x1  }
0xeb: {  	[tilespmem:v11+s3+$0x0] =	vst.idx.msk vm0, v41;
	vm8 =	veq.s32 v54, $0x0;
	v58 =	vsel vm6, v57, v38;
	v47 =	vsel vm6, v55, v57  }
0xec: {  	[tilespmem:v10+s3+$0x0] =	vst.idx.msk vm0, v39;
	v10 =	vor.u32 $0x15, v3;
	v59 =	vsel vm7, v55, v58;
	v60 =	vsel vm7, v53, v47  }
0xed: {  	v11 =	vld.idx.msk [tilespmem:v24+s3+$0x0], $0xffff;
	v31 =	vsub.f32 v29, v63;
	v44 =	vsel vm8, v53, v59;
	v38 =	vsel vm8, v38, v60  }
0xee: {  	v48 =	vld.idx.msk [tilespmem:v21+s3+$0x0], $0xffff;
	v29 =	vor.u32 $0x10, v3;
	v61 =	vmul.f32 v44, v42;
	v62 =	vmul.f32 v38, v37  }
0xef: {  	v36 =	vld.idx.msk [tilespmem:v22+s3+$0x0], $0xffff;
	[tilespmem:v9+s3+$0x0] =	vst.idx.msk vm0, v33;
	v60 =	vmul.f32 v44, v37;
	v63 =	vmul.f32 v38, v42  }
0xf0: {  	v9 =	vor.u32 $0x16, v3;
	[tilespmem:v8+s3+$0x0] =	vst.idx.msk vm0, v35;
	v8 =	vld.idx.msk [tilespmem:v15+s3+$0x0], $0xffff;
	v35 =	vor.u32 $0x17, v3;
	v51 =	vsub.f32 v61, v62  }
0xf1: {  	[tilespmem:v4+s3+$0x0] =	vst.idx.msk vm0, v32;
	v32 =	vor.u32 $0x18, v3;
	v61 =	vadd.f32 v63, v60;
	v62 =	vadd.f32 v43, v40  }
0xf2: {  	v4 =	vld.idx.msk [tilespmem:v17+s3+$0x0], $0xffff;
	v57 =	vor.u32 $0xF, v3;
	v55 =	vor.u32 $0x14, v3;
	v60 =	vand.u32 $0x7FFFFFFF, v45  }
0xf3: {  	v63 =	vand.u32 $0x7FFFFFFF, v51;
	v59 =	vand.u32 $0x7FFFFFFF, v61;
	v54 =	vadd.f32 v48, v62;
	v51 =	vld [tilespmem:s25+$0x10]  }
0xf4: {  	[tilespmem:v16+s3+$0x0] =	vst.idx.msk vm0, v30;
	vm9 =	vgt.f32 v59, v63;
	v41 =	vmax.f32 v63, v59;
	v59 =	vsub.f32 $0.0e+00, v44  }
0xf5: {  	v16 =	vld.idx.msk [tilespmem:v12+s3+$0x0], $0xffff;
	vm10 =	vgt.f32 v60, v41;
	v41 =	vmax.f32 v41, v60;
	v61 =	vand.u32 $0x7FFFFFFF, v54  }
0xf6: {  	v33 =	vld.idx.msk [tilespmem:v29+s3+$0x0], $0xffff;
	v62 =	vsel vm9, $0x1, v2;
	v60 =	vsub.f32 $0.0e+00, v38;
	vm11 =	vgt.f32 v61, v41  }
0xf7: {  	v58 =	vld.idx.msk [tilespmem:v18+s3+$0x0], $0xffff;
	v63 =	vsel vm10, $0x2, v62;
	v61 =	vadd.f32 v49, v34;
	vm12 =	vmneg vm11  }
0xf8: {  	[tilespmem:v14+s3+$0x0] =	vst.idx.msk vm0, v31;
	v47 =	vld.idx.msk [tilespmem:v28+s3+$0x0], $0xffff;
	vm13 =	vne.s32 v51, $0x0;
	v62 =	vnsel vm12, $0x3, v63;
	vm2 =	vmand vm12, vm10  }
0xf9: {  	v53 =	vld.idx.msk [tilespmem:v5+s3+$0x0], $0xffff;
	vm14 =	veq.s32 v62, $0x1;
	v63 =	vsel vm2, v59, v60;
	v30 =	vsel vm2, v38, v59  }
0xfa: {  	v39 =	vld.idx.msk [tilespmem:v57+s3+$0x0], $0xffff;
	vm15 =	veq.s32 v62, $0x0;
	v38 =	vsel vm14, v38, v63;
	v30 =	vsel vm14, v44, v30  }
0xfb: {  	v31 =	vld.idx.msk [tilespmem:v55+s3+$0x0], $0xffff;
	v34 =	vcvt.s32.f32 v62;
	v38 =	vsel vm15, v44, v38;
	v30 =	vsel vm15, v60, v30  }
0xfc: {  	v41 =	vld.idx.msk [tilespmem:v10+s3+$0x0], $0xffff;
	v52 =	vmul.f32 v38, v42;
	v54 =	vmul.f32 v30, v37  }
0xfd: {  	v49 =	vld.idx.msk [tilespmem:v35+s3+$0x0], $0xffff;
	[tilespmem:v13+s3+$0x0] =	vst.idx.msk vm0, v61;
	v59 =	vmul.f32 v30, v42;
	v60 =	vmul.f32 v38, v37  }
0xfe: {  	v51 =	vld.idx.msk [tilespmem:v9+s3+$0x0], $0xffff;
	v61 =	vmul.f32 v38, v45;
	v62 =	vmul.f32 v30, v40;
	v14 =	vsub.f32 v52, v54  }
0xff: {  	v13 =	vld.idx.msk [tilespmem:v32+s3+$0x0], $0xffff;
	[tilespmem:v7+s3+$0x0] =	vst.idx.msk vm13, v34;
	v7 =	vadd.f32 v60, v59  }
0x100: {  	[tilespmem:v3+s3+$0x0] =	vst.idx.msk vm13, v14;
	v3 =	vsub.f32 v61, v62  }
0x101: {  	v63 =	vmul.f32 v30, v45;
	v40 =	vmul.f32 v38, v40;
	[tilespmem:v23+s3+$0x0] =	vst.idx.msk vm13, v7  }
0x102: {  	v42 =	vmul.f32 v30, v48;
	[tilespmem:v26+s3+$0x0] =	vst.idx.msk vm13, v3;
	v3 =	vmul.f32 v38, v43  }
0x103: {  	v44 =	vmul.f32 v38, v48;
	v40 =	vadd.f32 v40, v63;
	v43 =	vmul.f32 v30, v43  }
0x104: {  	v45 =	vmul.f32 v38, v50;
	v48 =	vmul.f32 v30, v47;
	v3 =	vsub.f32 v3, v42  }
0x105: {  	[tilespmem:v27+s3+$0x0] =	vst.idx.msk vm13, v40;
	v7 =	vadd.f32 v44, v43  }
0x106: {  	[tilespmem:v20+s3+$0x0] =	vst.idx.msk vm13, v3;
	v3 =	vsub.f32 v45, v48  }
0x107: {  	v52 =	vmul.f32 v30, v50;
	v54 =	vmul.f32 v38, v47;
	[tilespmem:v21+s3+$0x0] =	vst.idx.msk vm13, v7  }
0x108: {  	v60 =	vmul.f32 v30, v53;
	[tilespmem:v25+s3+$0x0] =	vst.idx.msk vm13, v3;
	v3 =	vmul.f32 v38, v46  }
0x109: {  	v59 =	vadd.f32 v54, v52;
	v61 =	vmul.f32 v30, v46;
	v62 =	vmul.f32 v38, v53  }
0x10a: {  	v63 =	vmul.f32 v38, v56;
	v25 =	vmul.f32 v30, v58;
	v3 =	vsub.f32 v3, v60  }
0x10b: {  	v7 =	vadd.f32 v62, v61;
	[tilespmem:v28+s3+$0x0] =	vst.idx.msk vm13, v59  }
0x10c: {  	[tilespmem:v6+s3+$0x0] =	vst.idx.msk vm13, v3;
	v3 =	vsub.f32 v63, v25  }
0x10d: {  	v26 =	vmul.f32 v30, v56;
	v27 =	vmul.f32 v38, v58;
	[tilespmem:v5+s3+$0x0] =	vst.idx.msk vm13, v7  }
0x10e: {  	v34 =	vmul.f32 v30, v11;
	[tilespmem:v19+s3+$0x0] =	vst.idx.msk vm13, v3;
	v3 =	vmul.f32 v38, v36  }
0x10f: {  	v37 =	vmul.f32 v38, v11;
	v28 =	vadd.f32 v27, v26;
	v36 =	vmul.f32 v30, v36  }
0x110: {  	v40 =	vmul.f32 v38, v39;
	v42 =	vmul.f32 v30, v33;
	v3 =	vsub.f32 v3, v34  }
0x111: {  	[tilespmem:v18+s3+$0x0] =	vst.idx.msk vm13, v28;
	v5 =	vadd.f32 v37, v36  }
0x112: {  	[tilespmem:v22+s3+$0x0] =	vst.idx.msk vm13, v3;
	v3 =	vsub.f32 v40, v42  }
0x113: {  	v43 =	vmul.f32 v30, v39;
	v44 =	vmul.f32 v38, v33;
	[tilespmem:v24+s3+$0x0] =	vst.idx.msk vm13, v5  }
0x114: {  	v46 =	vmul.f32 v30, v4;
	[tilespmem:v57+s3+$0x0] =	vst.idx.msk vm13, v3;
	v3 =	vmul.f32 v38, v8  }
0x115: {  	v47 =	vmul.f32 v30, v8;
	v45 =	vadd.f32 v44, v43;
	v4 =	vmul.f32 v38, v4  }
0x116: {  	v50 =	vmul.f32 v30, v31;
	v48 =	vmul.f32 v38, v16;
	v3 =	vsub.f32 v3, v46  }
0x117: {  	v4 =	vadd.f32 v4, v47;
	[tilespmem:v29+s3+$0x0] =	vst.idx.msk vm13, v45  }
0x118: {  	v52 =	vmul.f32 v30, v16;
	[tilespmem:v15+s3+$0x0] =	vst.idx.msk vm13, v3;
	v3 =	vsub.f32 v48, v50  }
0x119: {  	v53 =	vmul.f32 v38, v31;
	v56 =	vmul.f32 v30, v51;
	[tilespmem:v17+s3+$0x0] =	vst.idx.msk vm13, v4  }
0x11a: {  	v61 =	vmul.f32 v30, v49;
	[tilespmem:v12+s3+$0x0] =	vst.idx.msk vm13, v3;
	v3 =	vmul.f32 v38, v41  }
0x11b: {  	s24 =	sadd.s32 $0x4, s24;
	v54 =	vadd.f32 v53, v52;
	v58 =	vmul.f32 v38, v51;
	v57 =	vmul.f32 v30, v41  }
0x11c: {  	p0 =	slt.u32 s24, $0xC;
	v59 =	vmul.f32 v38, v49;
	v60 =	vmul.f32 v30, v13;
	v3 =	vsub.f32 v3, v56  }
.Ltmp0:
0x11d: {  	v62 =	vmul.f32 v38, v13;
	v4 =	vadd.f32 v58, v57;
	[tilespmem:v55+s3+$0x0] =	vst.idx.msk vm13, v54;
	(pc) =	sbr.rel @p0 .LBB2_3-.Ltmp0, $4  }
0x11e: {  	[tilespmem:v10+s3+$0x0] =	vst.idx.msk vm13, v3;
	v3 =	vsub.f32 v59, v60  }
0x11f: {  	v63 =	vadd.f32 v62, v61;
	[tilespmem:v9+s3+$0x0] =	vst.idx.msk vm13, v4  }
0x120: {  	[tilespmem:v35+s3+$0x0] =	vst.idx.msk vm13, v3  }
0x121: {  	s23 =	sadd.s32 $0x40, s23;
	s25 =	sadd.s32 $0x40, s25;
	[tilespmem:v32+s3+$0x0] =	vst.idx.msk vm13, v63  }
0x122: {  	s23 =	sshll.u32 s20, $0xD  }
0x123: {  	s24 =	sadd.s32 s23, s8;
	s23 =	simm.s32 $0x0  }
0x124: {  	[hbm4b:s24+s23] =	stream.linear.scatter [tilespmem:s23], [sflag:$0x3], $0x8000, $0x38;
	[tilespmem:$0x10200] =	vst v63  }
0x125: {  	_ =	swait.ge [sflag:s16], $0x8000  }
0x126: {  	[sflag:s16] =	ssyncset.done $0x0  }
0x127: {  	[sflag:s16] =	ssyncadd.s32 $0xFFFF8000  }
0x128: {  	_ =	swait.ge [sflag:s16], $0x100  }
0x129: {  	[sflag:s16] =	ssyncset.done $0x0  }
0x12a: {  	s25 =	simm.s32 $0x10120;
	s24 =	simm.s32 $0xFFFFFFFC;
	[sflag:s16] =	ssyncadd.s32 $0xFFFFFF00  }
.LBB2_5:
0x12b: {  	v3 =	vmov s23  }
0x12c: {  	v3 =	vshll.u32 v3, $0x7  }
0x12d: {  	v22 =	vor.u32 v0, v3  }
0x12e: {  	v28 =	vor.u32 $0xC, v22;
	_ =	sdelay $0x4  }
0x12f: {  	v3 =	vld.idx.msk [tilespmem:v28+s13+$0x0], $0xffff;
	_ =	sdelay $0x4  }
0x130: {  	vm0 =	vge.f32 v3, $0.0e+00  }
0x131: {  	v4 =	vsel vm0, $0x3F000000, v1  }
0x132: {  	v4 =	vadd.f32 v4, v3;
	_ =	sdelay $0x1  }
0x133: {  	v4 =	vtrunc.f32 v4  }
0x134: {  	v4 =	vcvt.f32.s32 v4;
	_ =	sdelay $0x1  }
0x135: {  	v5 =	vcvt.s32.f32 v4;
	_ =	sdelay $0x1  }
0x136: {  	v3 =	vsub.f32 v3, v5;
	_ =	sdelay $0x1  }
0x137: {  	v3 =	vmul.f32 $1.570796370e+00, v3;
	_ =	sdelay $0x1  }
0x138: {  	v43 =	vmul.f32 v3, v3;
	_ =	sdelay $0x1  }
0x139: {  	v6 =	vmul.f32 $1.984127010e-04, v43  }
0x13a: {  	v7 =	vmul.f32 $1.388888920e-03, v43  }
0x13b: {  	v6 =	vsub.f32 $8.333333770e-03, v6  }
0x13c: {  	v7 =	vsub.f32 $4.166666790e-02, v7  }
0x13d: {  	v6 =	vmul.f32 v6, v43  }
0x13e: {  	v7 =	vmul.f32 v7, v43  }
0x13f: {  	v6 =	vadd.f32 $-1.666666720e-01, v6  }
0x140: {  	v7 =	vadd.f32 $-5.000000000e-01, v7  }
0x141: {  	v29 =	vor.u32 $0x1, v22;
	v6 =	vmul.f32 v6, v43  }
0x142: {  	v26 =	vor.u32 $0x3, v22;
	v5 =	vmul.f32 v7, v43  }
0x143: {  	v25 =	vor.u32 $0x4, v22;
	v6 =	vadd.f32 $1.000000000e+00, v6  }
0x144: {  	s26 =	sadd.s32 $0x10, s23;
	v5 =	vadd.f32 $1.000000000e+00, v5  }
0x145: {  	v38 =	vmov s26;
	v27 =	vor.u32 $0x2, v22;
	v30 =	vld.idx.msk [tilespmem:v22+s13+$0x0], $0xffff;
	v3 =	vmul.f32 v6, v3  }
0x146: {  	v24 =	vor.u32 $0x5, v22;
	v31 =	vld.idx.msk [tilespmem:v29+s13+$0x0], $0xffff;
	v4 =	vand.u32 $0x3, v4;
	v44 =	vsub.f32 $0.0e+00, v5  }
0x147: {  	v19 =	vor.u32 $0x6, v22;
	v32 =	vld.idx.msk [tilespmem:v26+s13+$0x0], $0xffff;
	vm15 =	veq.s32 v4, $0x2;
	v6 =	vsub.f32 $0.0e+00, v3  }
0x148: {  	v21 =	vor.u32 $0x7, v22;
	v33 =	vld.idx.msk [tilespmem:v25+s13+$0x0], $0xffff;
	vm1 =	veq.s32 v4, $0x1;
	v9 =	vsel vm15, v44, v3  }
0x149: {  	vm4 =	veq.s32 v4, $0x0;
	v7 =	vsel vm15, v6, v44;
	v45 =	vsel vm1, v6, v9  }
0x14a: {  	v17 =	vor.u32 $0x8, v22;
	v46 =	vsel vm1, v5, v7;
	v20 =	vsel vm4, v5, v45  }
0x14b: {  	v34 =	vld.idx.msk [tilespmem:v24+s13+$0x0], $0xffff;
	v23 =	vsel vm4, v3, v46;
	v3 =	vmul.f32 v20, v30;
	v49 =	vmul.f32 v20, v31  }
0x14c: {  	v16 =	vor.u32 $0x9, v22;
	v35 =	vld.idx.msk [tilespmem:v27+s13+$0x0], $0xffff;
	v47 =	vmul.f32 v23, v31;
	v48 =	vmul.f32 v23, v30  }
0x14d: {  	v15 =	vor.u32 $0xA, v22;
	v10 =	vor.u32 $0xB, v22;
	v18 =	vadd.f32 v33, v32  }
0x14e: {  	v8 =	vor.u32 $0xD, v22;
	v3 =	vsub.f32 v3, v47;
	v50 =	vadd.f32 v48, v49  }
0x14f: {  	v13 =	vor.u32 $0xE, v22;
	v14 =	vor.u32 $0xF, v22;
	v12 =	vor.u32 $0x10, v22  }
0x150: {  	v18 =	vadd.f32 v34, v18;
	v3 =	vand.u32 $0x7FFFFFFF, v3;
	v4 =	vand.u32 $0x7FFFFFFF, v50  }
0x151: {  	v36 =	vand.u32 $0x7FFFFFFF, v35;
	vm5 =	vgt.f32 v4, v3;
	v3 =	vmax.f32 v3, v4  }
0x152: {  	v18 =	vand.u32 $0x7FFFFFFF, v18;
	v52 =	vsub.f32 $0.0e+00, v20;
	v37 =	vmax.f32 v3, v36  }
0x153: {  	v51 =	vsel vm5, $0x1, v2;
	vm6 =	vgt.f32 v36, v3;
	vm7 =	vgt.f32 v18, v37  }
0x154: {  	v53 =	vsub.f32 $0.0e+00, v23;
	v36 =	vsel vm6, $0x2, v51;
	vm1 =	vmneg vm7  }
0x155: {  	v3 =	vshll.u32 v38, $0x7;
	v36 =	vnsel vm1, $0x3, v36;
	vm0 =	vmand vm1, vm6  }
0x156: {  	v40 =	vld [tilespmem:s25+$0xFFFFFFE0];
	v3 =	vor.u32 v0, v3;
	vm8 =	veq.s32 v36, $0x1;
	v39 =	vsel vm0, v52, v53  }
0x157: {  	v37 =	vsel vm0, v23, v52;
	vm9 =	veq.s32 v36, $0x0;
	v23 =	vsel vm8, v23, v39  }
0x158: {  	v4 =	vor.u32 $0xC, v3;
	v37 =	vsel vm8, v20, v37;
	v39 =	vsel vm9, v20, v23  }
0x159: {  	v36 =	vcvt.s32.f32 v36;
	v37 =	vsel vm9, v53, v37;
	v54 =	vmul.f32 v39, v30  }
0x15a: {  	v11 =	vor.u32 $0x11, v22;
	v43 =	vld.idx.msk [tilespmem:v19+s13+$0x0], $0xffff;
	v41 =	vmul.f32 v37, v31;
	v30 =	vmul.f32 v37, v30  }
0x15b: {  	vm10 =	vne.s32 v40, $0x0;
	v44 =	vld.idx.msk [tilespmem:v21+s13+$0x0], $0xffff;
	v31 =	vmul.f32 v39, v31;
	v55 =	vmul.f32 v39, v35  }
0x15c: {  	v9 =	vor.u32 $0x12, v22;
	v46 =	vld.idx.msk [tilespmem:v17+s13+$0x0], $0xffff;
	v45 =	vmul.f32 v37, v32;
	v56 =	vmul.f32 v37, v35  }
0x15d: {  	v57 =	vld.idx.msk [tilespmem:v16+s13+$0x0], $0xffff;
	v6 =	vor.u32 $0x14, v22;
	v32 =	vmul.f32 v39, v32;
	v58 =	vmul.f32 v39, v33  }
0x15e: {  	v7 =	vor.u32 $0x13, v22;
	v42 =	vld.idx.msk [tilespmem:v4+s13+$0x0], $0xffff;
	v59 =	vmul.f32 v37, v34;
	v33 =	vmul.f32 v37, v33  }
0x15f: {  	v5 =	vor.u32 $0x15, v22;
	v34 =	vmul.f32 v39, v34;
	v48 =	vmul.f32 v39, v43  }
0x160: {  	v47 =	vld.idx.msk [tilespmem:v15+s13+$0x0], $0xffff;
	v18 =	vor.u32 $0x16, v22;
	v51 =	vmul.f32 v37, v44;
	v43 =	vmul.f32 v37, v43  }
0x161: {  	v50 =	vld.idx.msk [tilespmem:v10+s13+$0x0], $0xffff;
	v20 =	vor.u32 $0x17, v22;
	v60 =	vmul.f32 v39, v44;
	v61 =	vmul.f32 v39, v46  }
0x162: {  	v23 =	vor.u32 $0x18, v22;
	v62 =	vmul.f32 v37, v57;
	v35 =	vmul.f32 v39, v57  }
0x163: {  	v52 =	vld.idx.msk [tilespmem:v8+s13+$0x0], $0xffff;
	v38 =	vsub.f32 v54, v41;
	v30 =	vadd.f32 v31, v30;
	vm11 =	vge.f32 v42, $0.0e+00  }
0x164: {  	v53 =	vld.idx.msk [tilespmem:v13+s13+$0x0], $0xffff;
	v40 =	vsub.f32 v55, v45;
	v31 =	vadd.f32 v32, v56;
	v49 =	vsel vm11, $0x3F000000, v1  }
0x165: {  	v63 =	vmul.f32 v39, v47;
	v33 =	vadd.f32 v34, v33;
	v49 =	vadd.f32 v49, v42  }
0x166: {  	v34 =	vmul.f32 v37, v46;
	v54 =	vld.idx.msk [tilespmem:v12+s13+$0x0], $0xffff;
	v43 =	vadd.f32 v60, v43;
	v60 =	vmul.f32 v37, v50  }
0x167: {  	v56 =	vld.idx.msk [tilespmem:v11+s13+$0x0], $0xffff;
	v44 =	vsub.f32 v61, v62;
	v62 =	vmul.f32 v39, v50;
	v49 =	vtrunc.f32 v49  }
0x168: {  	v41 =	vsub.f32 v58, v59;
	v50 =	vld.idx.msk [tilespmem:v9+s13+$0x0], $0xffff;
	v57 =	vmul.f32 v39, v52;
	v46 =	vcvt.f32.s32 v49  }
0x169: {  	v34 =	vadd.f32 v35, v34;
	v35 =	vmul.f32 v37, v52;
	v52 =	vmul.f32 v39, v53  }
0x16a: {  	v48 =	vsub.f32 v48, v51;
	v61 =	vmul.f32 v37, v47;
	v49 =	vld.idx.msk [tilespmem:v14+s13+$0x0], $0xffff;
	v55 =	vcvt.s32.f32 v46  }
0x16b: {  	v58 =	vmul.f32 v37, v53;
	v35 =	vadd.f32 v52, v35;
	v47 =	vmul.f32 v37, v54  }
0x16c: {  	v54 =	vmul.f32 v39, v54;
	v52 =	vmul.f32 v39, v56;
	v42 =	vsub.f32 v42, v55  }
0x16d: {  	v53 =	vld.idx.msk [tilespmem:v7+s13+$0x0], $0xffff;
	v45 =	vadd.f32 v62, v61;
	v61 =	vmul.f32 v37, v50;
	v56 =	vmul.f32 v37, v56  }
0x16e: {  	v59 =	vld.idx.msk [tilespmem:v5+s13+$0x0], $0xffff;
	v51 =	vsub.f32 v63, v60;
	v50 =	vmul.f32 v39, v50;
	v42 =	vmul.f32 $1.570796370e+00, v42  }
0x16f: {  	v57 =	vsub.f32 v57, v58;
	v55 =	vld.idx.msk [tilespmem:v6+s13+$0x0], $0xffff;
	v32 =	vmul.f32 v39, v49;
	v49 =	vmul.f32 v37, v49  }
0x170: {  	v60 =	vld.idx.msk [tilespmem:v18+s13+$0x0], $0xffff;
	v52 =	vsub.f32 v52, v61;
	v50 =	vadd.f32 v50, v56;
	v58 =	vmul.f32 v42, v42  }
0x171: {  	v62 =	vld.idx.msk [tilespmem:v20+s13+$0x0], $0xffff;
	v47 =	vsub.f32 v32, v47;
	v49 =	vadd.f32 v54, v49  }
0x172: {  	v54 =	vld.idx.msk [tilespmem:v23+s13+$0x0], $0xffff;
	[tilespmem:v28+s13+$0x0] =	vst.idx.msk vm10, v36;
	v28 =	vmul.f32 v39, v53;
	v63 =	vmul.f32 $1.984127010e-04, v58  }
0x173: {  	v53 =	vmul.f32 v37, v53;
	[tilespmem:v22+s13+$0x0] =	vst.idx.msk vm10, v38;
	v38 =	vmul.f32 v39, v59;
	v22 =	vor.u32 $0x7, v3  }
0x174: {  	v61 =	vmul.f32 v39, v55;
	[tilespmem:v29+s13+$0x0] =	vst.idx.msk vm10, v30;
	v36 =	vmul.f32 $1.388888920e-03, v58;
	v32 =	vsub.f32 $8.333333770e-03, v63  }
0x175: {  	v29 =	vmul.f32 v37, v59;
	v59 =	vmul.f32 v39, v60;
	[tilespmem:v27+s13+$0x0] =	vst.idx.msk vm10, v40;
	v27 =	vor.u32 $0xB, v3  }
0x176: {  	v63 =	vmul.f32 v37, v55;
	v36 =	vsub.f32 $4.166666790e-02, v36;
	v32 =	vmul.f32 v32, v58  }
0x177: {  	[tilespmem:v26+s13+$0x0] =	vst.idx.msk vm10, v31;
	v31 =	vor.u32 $0x9, v3;
	v55 =	vmul.f32 v37, v60;
	v60 =	vmul.f32 v39, v62  }
0x178: {  	[tilespmem:v25+s13+$0x0] =	vst.idx.msk vm10, v41;
	v28 =	vsub.f32 v28, v63;
	v56 =	vmul.f32 v36, v58;
	v63 =	vadd.f32 $-1.666666720e-01, v32  }
0x179: {  	v25 =	vor.u32 $0x6, v3;
	[tilespmem:v24+s13+$0x0] =	vst.idx.msk vm10, v33;
	v24 =	vor.u32 $0x3, v3;
	v33 =	vor.u32 $0x2, v3  }
0x17a: {  	v36 =	vadd.f32 v61, v53;
	v30 =	vmul.f32 v63, v58;
	v63 =	vadd.f32 $-5.000000000e-01, v56  }
0x17b: {  	v61 =	vmul.f32 v37, v54;
	v26 =	vsub.f32 v38, v55;
	v32 =	vor.u32 $0x1, v3  }
0x17c: {  	v38 =	vadd.f32 v59, v29;
	[tilespmem:v19+s13+$0x0] =	vst.idx.msk vm10, v48;
	v56 =	vadd.f32 $1.000000000e+00, v30;
	v59 =	vmul.f32 v63, v58  }
0x17d: {  	v40 =	vld.idx.msk [tilespmem:v3+s13+$0x0], $0xffff;
	v19 =	vor.u32 $0x4, v3;
	v48 =	vand.u32 $0x3, v46;
	[tilespmem:v21+s13+$0x0] =	vst.idx.msk vm10, v43;
	v41 =	vsub.f32 v60, v61  }
0x17e: {  	v60 =	vmul.f32 v37, v62;
	[tilespmem:v17+s13+$0x0] =	vst.idx.msk vm10, v44;
	v62 =	vmul.f32 v56, v42;
	v63 =	vadd.f32 $1.000000000e+00, v59  }
0x17f: {  	v21 =	vor.u32 $0x5, v3;
	vm12 =	veq.s32 v48, $0x2;
	v61 =	vmul.f32 v39, v54;
	[tilespmem:v16+s13+$0x0] =	vst.idx.msk vm10, v34;
	v34 =	vld.idx.msk [tilespmem:v24+s13+$0x0], $0xffff  }
0x180: {  	vm2 =	veq.s32 v48, $0x1;
	v42 =	vld.idx.msk [tilespmem:v32+s13+$0x0], $0xffff;
	v53 =	vsub.f32 $0.0e+00, v62;
	v54 =	vsub.f32 $0.0e+00, v63  }
0x181: {  	vm13 =	veq.s32 v48, $0x0;
	v39 =	vadd.f32 v61, v60;
	[tilespmem:v15+s13+$0x0] =	vst.idx.msk vm10, v51;
	v48 =	vld.idx.msk [tilespmem:v33+s13+$0x0], $0xffff;
	v15 =	vor.u32 $0xD, v3  }
0x182: {  	v43 =	vld.idx.msk [tilespmem:v19+s13+$0x0], $0xffff;
	[tilespmem:v10+s13+$0x0] =	vst.idx.msk vm10, v45;
	v55 =	vsel vm12, v54, v62;
	v29 =	vsel vm12, v53, v54  }
0x183: {  	v10 =	vor.u32 $0xE, v3;
	[tilespmem:v8+s13+$0x0] =	vst.idx.msk vm10, v57;
	v16 =	vsel vm2, v53, v55;
	v56 =	vsel vm2, v63, v29  }
0x184: {  	v46 =	vld.idx.msk [tilespmem:v21+s13+$0x0], $0xffff;
	[tilespmem:v13+s13+$0x0] =	vst.idx.msk vm10, v35;
	v37 =	vsel vm13, v63, v16;
	v44 =	vsel vm13, v62, v56  }
0x185: {  	v30 =	vor.u32 $0x8, v3;
	[tilespmem:v14+s13+$0x0] =	vst.idx.msk vm10, v47;
	v16 =	vmul.f32 v37, v40;
	v17 =	vmul.f32 v44, v42  }
0x186: {  	v8 =	vor.u32 $0x10, v3;
	[tilespmem:v12+s13+$0x0] =	vst.idx.msk vm10, v49;
	v58 =	vmul.f32 v44, v40;
	v59 =	vmul.f32 v37, v42  }
0x187: {  	v13 =	vor.u32 $0x11, v3;
	v14 =	vor.u32 $0x12, v3;
	v61 =	vadd.f32 v43, v34;
	[tilespmem:v11+s13+$0x0] =	vst.idx.msk vm10, v52  }
0x188: {  	v49 =	vand.u32 $0x7FFFFFFF, v48;
	[tilespmem:v9+s13+$0x0] =	vst.idx.msk vm10, v50;
	v17 =	vsub.f32 v16, v17;
	v60 =	vadd.f32 v58, v59  }
0x189: {  	s30 =	sadd.s32 $0x20, s23;
	[tilespmem:v7+s13+$0x0] =	vst.idx.msk vm10, v28;
	v7 =	vor.u32 $0x13, v3;
	v28 =	vor.u32 $0x15, v3;
	v63 =	vadd.f32 v46, v61  }
0x18a: {  	v56 =	vmov s30;
	v17 =	vand.u32 $0x7FFFFFFF, v17;
	v62 =	vand.u32 $0x7FFFFFFF, v60  }
0x18b: {  	v57 =	vsub.f32 $0.0e+00, v37;
	v53 =	vand.u32 $0x7FFFFFFF, v63;
	v51 =	vmax.f32 v17, v62  }
0x18c: {  	v58 =	vsub.f32 $0.0e+00, v44;
	vm14 =	vgt.f32 v62, v17;
	v54 =	vmax.f32 v51, v49  }
0x18d: {  	v55 =	vsel vm14, $0x1, v2;
	vm15 =	vgt.f32 v49, v51;
	vm5 =	vgt.f32 v53, v54  }
0x18e: {  	[tilespmem:v6+s13+$0x0] =	vst.idx.msk vm10, v36;
	v59 =	vshll.u32 v56, $0x7;
	v9 =	vsel vm15, $0x2, v55;
	vm2 =	vmneg vm5  }
0x18f: {  	[tilespmem:v5+s13+$0x0] =	vst.idx.msk vm10, v26;
	v5 =	vor.u32 v0, v59;
	v9 =	vnsel vm2, $0x3, v9;
	vm1 =	vmand vm2, vm15  }
0x190: {  	vm3 =	veq.s32 v9, $0x1;
	v60 =	vsel vm1, v57, v58;
	v11 =	vsel vm1, v44, v57  }
0x191: {  	[tilespmem:v18+s13+$0x0] =	vst.idx.msk vm10, v38;
	vm6 =	veq.s32 v9, $0x0;
	v18 =	vsel vm3, v44, v60;
	v11 =	vsel vm3, v37, v11  }
0x192: {  	v61 =	vld [tilespmem:s25+$0xFFFFFFF0];
	v6 =	vor.u32 $0xC, v5;
	v18 =	vsel vm6, v37, v18;
	v11 =	vsel vm6, v58, v11  }
0x193: {  	v29 =	vor.u32 $0xA, v3;
	v63 =	vld.idx.msk [tilespmem:v22+s13+$0x0], $0xffff;
	v37 =	vmul.f32 v18, v40;
	v52 =	vmul.f32 v11, v42  }
0x194: {  	v26 =	vor.u32 $0x16, v3;
	v62 =	vld.idx.msk [tilespmem:v25+s13+$0x0], $0xffff;
	v40 =	vmul.f32 v11, v40;
	v53 =	vmul.f32 v18, v42  }
0x195: {  	[tilespmem:v20+s13+$0x0] =	vst.idx.msk vm10, v41;
	v16 =	vor.u32 $0xF, v3;
	v54 =	vmul.f32 v18, v48;
	v55 =	vmul.f32 v11, v34  }
0x196: {  	[tilespmem:v23+s13+$0x0] =	vst.idx.msk vm10, v39;
	v39 =	vld.idx.msk [tilespmem:v30+s13+$0x0], $0xffff;
	v56 =	vmul.f32 v11, v48;
	v34 =	vmul.f32 v18, v34  }
0x197: {  	v20 =	vor.u32 $0x18, v3;
	v45 =	vld.idx.msk [tilespmem:v6+s13+$0x0], $0xffff;
	v57 =	vmul.f32 v18, v43;
	v58 =	vmul.f32 v11, v46  }
0x198: {  	v47 =	vld.idx.msk [tilespmem:v31+s13+$0x0], $0xffff;
	v23 =	vor.u32 $0x17, v3;
	v59 =	vmul.f32 v11, v43;
	v60 =	vmul.f32 v18, v46  }
0x199: {  	vm7 =	vne.s32 v61, $0x0;
	v46 =	vmul.f32 v18, v62;
	v61 =	vmul.f32 v11, v63  }
0x19a: {  	v50 =	vld.idx.msk [tilespmem:v27+s13+$0x0], $0xffff;
	v17 =	vor.u32 $0x14, v3;
	v36 =	vmul.f32 v11, v62;
	v12 =	vmul.f32 v18, v63  }
0x19b: {  	v49 =	vld.idx.msk [tilespmem:v16+s13+$0x0], $0xffff;
	v63 =	vmul.f32 v18, v39;
	v39 =	vmul.f32 v11, v39;
	v37 =	vsub.f32 v37, v52  }
0x19c: {  	v48 =	vld.idx.msk [tilespmem:v29+s13+$0x0], $0xffff;
	vm8 =	vge.f32 v45, $0.0e+00;
	v40 =	vadd.f32 v53, v40;
	v41 =	vsub.f32 v54, v55  }
0x19d: {  	v42 =	vld.idx.msk [tilespmem:v15+s13+$0x0], $0xffff;
	v34 =	vadd.f32 v34, v56;
	v38 =	vadd.f32 v60, v59;
	v60 =	vmul.f32 v11, v47  }
0x19e: {  	v43 =	vld.idx.msk [tilespmem:v10+s13+$0x0], $0xffff;
	v35 =	vsub.f32 v57, v58;
	v62 =	vsel vm8, $0x3F000000, v1;
	v47 =	vmul.f32 v18, v47  }
0x19f: {  	v9 =	vcvt.s32.f32 v9;
	v53 =	vld.idx.msk [tilespmem:v8+s13+$0x0], $0xffff;
	v52 =	vadd.f32 v62, v45;
	v44 =	vsub.f32 v63, v60  }
0x1a0: {  	v55 =	vld.idx.msk [tilespmem:v13+s13+$0x0], $0xffff;
	v63 =	vmul.f32 v11, v50;
	v39 =	vadd.f32 v47, v39;
	v47 =	vmul.f32 v18, v50  }
0x1a1: {  	v56 =	vld.idx.msk [tilespmem:v14+s13+$0x0], $0xffff;
	v46 =	vsub.f32 v46, v61;
	v61 =	vtrunc.f32 v52;
	v62 =	vmul.f32 v18, v48  }
0x1a2: {  	v12 =	vadd.f32 v12, v36;
	v57 =	vld.idx.msk [tilespmem:v17+s13+$0x0], $0xffff;
	v48 =	vmul.f32 v11, v48;
	v36 =	vmul.f32 v18, v42  }
0x1a3: {  	v58 =	vld.idx.msk [tilespmem:v28+s13+$0x0], $0xffff;
	v60 =	vmul.f32 v11, v43;
	v51 =	vcvt.f32.s32 v61  }
0x1a4: {  	v59 =	vld.idx.msk [tilespmem:v26+s13+$0x0], $0xffff;
	v42 =	vmul.f32 v11, v42;
	v43 =	vmul.f32 v18, v43;
	v54 =	vsub.f32 v62, v63  }
0x1a5: {  	v52 =	vld.idx.msk [tilespmem:v7+s13+$0x0], $0xffff;
	v47 =	vadd.f32 v47, v48;
	v48 =	vmul.f32 v18, v49;
	v50 =	vcvt.s32.f32 v51  }
0x1a6: {  	v61 =	vld.idx.msk [tilespmem:v23+s13+$0x0], $0xffff;
	v62 =	vmul.f32 v11, v53;
	v42 =	vadd.f32 v43, v42;
	v43 =	vmul.f32 v18, v55  }
0x1a7: {  	v63 =	vmul.f32 v11, v56;
	v45 =	vsub.f32 v45, v50;
	v50 =	vld.idx.msk [tilespmem:v20+s13+$0x0], $0xffff;
	[tilespmem:v4+s13+$0x0] =	vst.idx.msk vm7, v9  }
0x1a8: {  	v4 =	vsub.f32 v36, v60;
	v9 =	vmul.f32 v11, v49;
	v60 =	vmul.f32 v18, v53  }
0x1a9: {  	v36 =	vmul.f32 v11, v55;
	v45 =	vmul.f32 $1.570796370e+00, v45  }
0x1aa: {  	v48 =	vsub.f32 v48, v62;
	v62 =	vmul.f32 v18, v52;
	v52 =	vmul.f32 v11, v52  }
0x1ab: {  	v55 =	vmul.f32 v11, v59;
	[tilespmem:v3+s13+$0x0] =	vst.idx.msk vm7, v37;
	v53 =	vmul.f32 v45, v45  }
0x1ac: {  	v9 =	vadd.f32 v60, v9;
	v60 =	vmul.f32 v18, v56;
	v56 =	vmul.f32 v11, v57  }
0x1ad: {  	v3 =	vsub.f32 v43, v63;
	[tilespmem:v32+s13+$0x0] =	vst.idx.msk vm7, v40;
	v32 =	vmul.f32 v18, v57;
	v63 =	vmul.f32 $1.984127010e-04, v53  }
0x1ae: {  	[tilespmem:v33+s13+$0x0] =	vst.idx.msk vm7, v41;
	v33 =	vor.u32 $0x4, v5;
	v49 =	vadd.f32 v60, v36;
	v60 =	vmul.f32 $1.388888920e-03, v53  }
0x1af: {  	v37 =	vsub.f32 v62, v56;
	v36 =	vmul.f32 v18, v58;
	[tilespmem:v24+s13+$0x0] =	vst.idx.msk vm7, v34;
	v57 =	vsub.f32 $8.333333770e-03, v63  }
0x1b0: {  	v62 =	vmul.f32 v11, v58;
	v43 =	vadd.f32 v32, v52;
	[tilespmem:v19+s13+$0x0] =	vst.idx.msk vm7, v35;
	v63 =	vsub.f32 $4.166666790e-02, v60  }
0x1b1: {  	v56 =	vmul.f32 v18, v59;
	v34 =	vor.u32 $0x3, v5;
	[tilespmem:v21+s13+$0x0] =	vst.idx.msk vm7, v38;
	v40 =	vmul.f32 v57, v53  }
0x1b2: {  	v32 =	vor.u32 $0x5, v5;
	v24 =	vor.u32 $0xD, v5;
	[tilespmem:v25+s13+$0x0] =	vst.idx.msk vm7, v46;
	v60 =	vmul.f32 v63, v53  }
0x1b3: {  	v58 =	vmul.f32 v11, v50;
	v41 =	vsub.f32 v36, v55;
	[tilespmem:v22+s13+$0x0] =	vst.idx.msk vm7, v12;
	v59 =	vadd.f32 $-1.666666720e-01, v40  }
0x1b4: {  	v36 =	vor.u32 $0x1, v5;
	[tilespmem:v30+s13+$0x0] =	vst.idx.msk vm7, v44;
	v57 =	vmul.f32 v18, v61;
	v63 =	vadd.f32 $-5.000000000e-01, v60  }
0x1b5: {  	v18 =	vmul.f32 v18, v50;
	v50 =	vadd.f32 v56, v62;
	v62 =	vmul.f32 v59, v53  }
0x1b6: {  	v11 =	vmul.f32 v11, v61;
	v35 =	vor.u32 $0x2, v5;
	[tilespmem:v31+s13+$0x0] =	vst.idx.msk vm7, v39;
	v52 =	vmul.f32 v63, v53  }
0x1b7: {  	v19 =	vor.u32 $0xA, v5;
	v21 =	vor.u32 $0x9, v5;
	v39 =	vld.idx.msk [tilespmem:v5+s13+$0x0], $0xffff;
	[tilespmem:v29+s13+$0x0] =	vst.idx.msk vm7, v54;
	v46 =	vadd.f32 $1.000000000e+00, v62  }
0x1b8: {  	v25 =	vor.u32 $0x8, v5;
	v22 =	vor.u32 $0xE, v5;
	[tilespmem:v27+s13+$0x0] =	vst.idx.msk vm7, v47;
	v27 =	vld.idx.msk [tilespmem:v34+s13+$0x0], $0xffff;
	v53 =	vadd.f32 $1.000000000e+00, v52  }
0x1b9: {  	v12 =	vor.u32 $0x10, v5;
	v40 =	vadd.f32 v18, v11;
	v11 =	vmul.f32 v46, v45;
	v46 =	vld.idx.msk [tilespmem:v33+s13+$0x0], $0xffff  }
0x1ba: {  	v30 =	vor.u32 $0x6, v5;
	v29 =	vld.idx.msk [tilespmem:v36+s13+$0x0], $0xffff;
	v54 =	vand.u32 $0x3, v51;
	v56 =	vsub.f32 $0.0e+00, v53  }
0x1bb: {  	v31 =	vor.u32 $0x7, v5;
	vm9 =	veq.s32 v54, $0x2;
	v55 =	vsub.f32 $0.0e+00, v11  }
0x1bc: {  	v38 =	vsub.f32 v57, v58;
	vm10 =	veq.s32 v54, $0x1;
	v47 =	vld.idx.msk [tilespmem:v32+s13+$0x0], $0xffff;
	v45 =	vsel vm9, v56, v11  }
0x1bd: {  	vm11 =	veq.s32 v54, $0x0;
	[tilespmem:v15+s13+$0x0] =	vst.idx.msk vm7, v4;
	v44 =	vsel vm9, v55, v56;
	v57 =	vsel vm10, v55, v45  }
0x1be: {  	v52 =	vld.idx.msk [tilespmem:v35+s13+$0x0], $0xffff;
	v44 =	vsel vm10, v53, v44;
	v45 =	vsel vm11, v53, v57;
	v53 =	vadd.f32 v46, v27  }
0x1bf: {  	v44 =	vsel vm11, v11, v44;
	v58 =	vmul.f32 v45, v39;
	v61 =	vmul.f32 v45, v29  }
0x1c0: {  	v18 =	vor.u32 $0xB, v5;
	[tilespmem:v10+s13+$0x0] =	vst.idx.msk vm7, v42;
	v59 =	vmul.f32 v44, v29;
	v60 =	vmul.f32 v44, v39  }
0x1c1: {  	v15 =	vor.u32 $0xF, v5;
	v4 =	vor.u32 $0x15, v5;
	[tilespmem:v16+s13+$0x0] =	vst.idx.msk vm7, v48;
	v55 =	vadd.f32 v47, v53  }
0x1c2: {  	v10 =	vor.u32 $0x12, v5;
	[tilespmem:v8+s13+$0x0] =	vst.idx.msk vm7, v9;
	v62 =	vsub.f32 v58, v59;
	v63 =	vadd.f32 v60, v61  }
0x1c3: {  	v16 =	vor.u32 $0x16, v5;
	[tilespmem:v13+s13+$0x0] =	vst.idx.msk vm7, v3;
	v56 =	vand.u32 $0x7FFFFFFF, v52;
	v57 =	vand.u32 $0x7FFFFFFF, v55  }
0x1c4: {  	[tilespmem:v14+s13+$0x0] =	vst.idx.msk vm7, v49;
	v61 =	vsub.f32 $0.0e+00, v45;
	v3 =	vand.u32 $0x7FFFFFFF, v62;
	v54 =	vand.u32 $0x7FFFFFFF, v63  }
0x1c5: {  	s31 =	sadd.s32 $0x30, s23;
	v49 =	vld.idx.msk [tilespmem:v22+s13+$0x0], $0xffff;
	v62 =	vsub.f32 $0.0e+00, v44;
	vm12 =	vgt.f32 v54, v3;
	v3 =	vmax.f32 v3, v54  }
0x1c6: {  	v51 =	vld.idx.msk [tilespmem:v15+s13+$0x0], $0xffff;
	v59 =	vmax.f32 v3, v56;
	vm13 =	vgt.f32 v56, v3;
	v3 =	vmov s31  }
0x1c7: {  	[tilespmem:v7+s13+$0x0] =	vst.idx.msk vm7, v37;
	v37 =	vld.idx.msk [tilespmem:v30+s13+$0x0], $0xffff;
	v58 =	vsel vm12, $0x1, v2;
	vm14 =	vgt.f32 v57, v59;
	v3 =	vshll.u32 v3, $0x7  }
0x1c8: {  	[tilespmem:v17+s13+$0x0] =	vst.idx.msk vm7, v43;
	v43 =	vld.idx.msk [tilespmem:v24+s13+$0x0], $0xffff;
	v60 =	vsel vm13, $0x2, v58;
	vm2 =	vmneg vm14;
	v3 =	vor.u32 v0, v3  }
0x1c9: {  	[tilespmem:v28+s13+$0x0] =	vst.idx.msk vm7, v41;
	v28 =	vld.idx.msk [tilespmem:v31+s13+$0x0], $0xffff;
	v63 =	vnsel vm2, $0x3, v60;
	vm1 =	vmand vm2, vm13;
	v7 =	vor.u32 $0xC, v3  }
0x1ca: {  	v41 =	vld.idx.msk [tilespmem:v18+s13+$0x0], $0xffff;
	vm15 =	veq.s32 v63, $0x1;
	v55 =	vsel vm1, v61, v62;
	v13 =	vsel vm1, v44, v61  }
0x1cb: {  	[tilespmem:v26+s13+$0x0] =	vst.idx.msk vm7, v50;
	vm4 =	veq.s32 v63, $0x0;
	v57 =	vsel vm15, v44, v55;
	v13 =	vsel vm15, v45, v13  }
0x1cc: {  	[tilespmem:v23+s13+$0x0] =	vst.idx.msk vm7, v38;
	v38 =	vcvt.s32.f32 v63;
	v17 =	vsel vm4, v45, v57;
	v42 =	vsel vm4, v62, v13  }
0x1cd: {  	v9 =	vor.u32 $0x13, v5;
	v56 =	vld [tilespmem:s25+$0x0];
	v58 =	vmul.f32 v17, v39;
	v59 =	vmul.f32 v42, v29  }
0x1ce: {  	v8 =	vor.u32 $0x14, v5;
	v26 =	vld.idx.msk [tilespmem:v25+s13+$0x0], $0xffff;
	v39 =	vmul.f32 v42, v39;
	v29 =	vmul.f32 v17, v29  }
0x1cf: {  	v14 =	vor.u32 $0x17, v5;
	v23 =	vld.idx.msk [tilespmem:v21+s13+$0x0], $0xffff;
	v60 =	vmul.f32 v17, v52;
	v61 =	vmul.f32 v42, v27  }
0x1d0: {  	v11 =	vor.u32 $0x11, v5;
	v62 =	vmul.f32 v42, v52;
	v27 =	vmul.f32 v17, v27;
	v48 =	vld.idx.msk [tilespmem:v7+s13+$0x0], $0xffff  }
0x1d1: {  	[tilespmem:v20+s13+$0x0] =	vst.idx.msk vm7, v40;
	v40 =	vld.idx.msk [tilespmem:v19+s13+$0x0], $0xffff;
	v63 =	vmul.f32 v17, v46;
	v46 =	vmul.f32 v42, v46  }
0x1d2: {  	v53 =	vld.idx.msk [tilespmem:v10+s13+$0x0], $0xffff;
	vm0 =	vne.s32 v56, $0x0;
	v55 =	vmul.f32 v17, v37;
	v56 =	vmul.f32 v42, v28  }
0x1d3: {  	v54 =	vld.idx.msk [tilespmem:v9+s13+$0x0], $0xffff;
	v13 =	vor.u32 $0x18, v5;
	v37 =	vmul.f32 v42, v37;
	v28 =	vmul.f32 v17, v28  }
0x1d4: {  	v52 =	vld.idx.msk [tilespmem:v12+s13+$0x0], $0xffff;
	v50 =	vmul.f32 v17, v26;
	v26 =	vmul.f32 v42, v26;
	v44 =	vsub.f32 v58, v59  }
0x1d5: {  	v29 =	vadd.f32 v29, v39;
	v20 =	vsub.f32 v60, v61;
	v39 =	vld.idx.msk [tilespmem:v11+s13+$0x0], $0xffff;
	vm5 =	vge.f32 v48, $0.0e+00  }
0x1d6: {  	v60 =	vmul.f32 v42, v47;
	v58 =	vld.idx.msk [tilespmem:v8+s13+$0x0], $0xffff;
	v55 =	vsub.f32 v55, v56;
	v61 =	vsel vm5, $0x3F000000, v1  }
0x1d7: {  	v47 =	vmul.f32 v17, v47;
	v59 =	vld.idx.msk [tilespmem:v4+s13+$0x0], $0xffff;
	v28 =	vadd.f32 v28, v37;
	v57 =	vadd.f32 v61, v48  }
0x1d8: {  	v37 =	vmul.f32 v17, v40;
	v45 =	vsub.f32 v63, v60;
	v60 =	vmul.f32 v42, v23;
	v56 =	vld.idx.msk [tilespmem:v13+s13+$0x0], $0xffff  }
0x1d9: {  	v27 =	vadd.f32 v27, v62;
	v23 =	vmul.f32 v17, v23;
	v61 =	vld.idx.msk [tilespmem:v16+s13+$0x0], $0xffff;
	v62 =	vtrunc.f32 v57  }
0x1da: {  	v57 =	vld.idx.msk [tilespmem:v14+s13+$0x0], $0xffff;
	[tilespmem:v6+s13+$0x0] =	vst.idx.msk vm0, v38;
	v6 =	vsub.f32 v50, v60;
	v38 =	vmul.f32 v42, v40  }
0x1db: {  	v50 =	vadd.f32 v23, v26;
	v23 =	vmul.f32 v17, v41;
	v26 =	vmul.f32 v17, v43  }
0x1dc: {  	v60 =	vmul.f32 v42, v49;
	v43 =	vmul.f32 v42, v43  }
0x1dd: {  	v46 =	vadd.f32 v47, v46;
	v47 =	vcvt.f32.s32 v62;
	v62 =	vmul.f32 v42, v41;
	[tilespmem:v5+s13+$0x0] =	vst.idx.msk vm0, v44  }
0x1de: {  	v44 =	vmul.f32 v42, v58;
	v5 =	vadd.f32 v23, v38;
	v23 =	vmul.f32 v42, v52  }
0x1df: {  	[tilespmem:v36+s13+$0x0] =	vst.idx.msk vm0, v29;
	v63 =	vcvt.s32.f32 v47;
	v37 =	vsub.f32 v37, v62;
	v62 =	vmul.f32 v17, v52  }
0x1e0: {  	v52 =	vmul.f32 v17, v53;
	[tilespmem:v35+s13+$0x0] =	vst.idx.msk vm0, v20;
	v20 =	vmul.f32 v42, v54  }
0x1e1: {  	[tilespmem:v34+s13+$0x0] =	vst.idx.msk vm0, v27;
	v40 =	vsub.f32 v48, v63;
	v63 =	vmul.f32 v17, v49  }
0x1e2: {  	v49 =	vmul.f32 v17, v51;
	[tilespmem:v33+s13+$0x0] =	vst.idx.msk vm0, v45;
	v34 =	vmul.f32 v42, v57  }
0x1e3: {  	[tilespmem:v32+s13+$0x0] =	vst.idx.msk vm0, v46;
	v38 =	vmul.f32 $1.570796370e+00, v40;
	v40 =	vsub.f32 v26, v60;
	v60 =	vmul.f32 v42, v51  }
0x1e4: {  	v43 =	vadd.f32 v63, v43;
	v63 =	vmul.f32 v17, v39;
	v51 =	vmul.f32 v42, v53  }
0x1e5: {  	v49 =	vsub.f32 v49, v23;
	v39 =	vmul.f32 v42, v39;
	v48 =	vmul.f32 v38, v38  }
0x1e6: {  	v27 =	vor.u32 $0x3, v3;
	v23 =	vmul.f32 v17, v54;
	[tilespmem:v30+s13+$0x0] =	vst.idx.msk vm0, v55;
	v55 =	vmul.f32 v42, v59  }
0x1e7: {  	v26 =	vor.u32 $0x2, v3;
	v36 =	vadd.f32 v62, v60;
	v53 =	vmul.f32 $1.984127010e-04, v48  }
0x1e8: {  	[tilespmem:v31+s13+$0x0] =	vst.idx.msk vm0, v28;
	v28 =	vor.u32 $0x7, v3;
	v41 =	vsub.f32 v63, v51;
	v39 =	vadd.f32 v52, v39  }
0x1e9: {  	v60 =	vmul.f32 v17, v58;
	v54 =	vmul.f32 $1.388888920e-03, v48;
	v29 =	vsub.f32 $8.333333770e-03, v53  }
0x1ea: {  	v62 =	vmul.f32 v17, v59;
	v63 =	vmul.f32 v42, v61;
	v33 =	vsub.f32 v23, v44  }
0x1eb: {  	v58 =	vmul.f32 v17, v61;
	v52 =	vsub.f32 $4.166666790e-02, v54;
	v29 =	vmul.f32 v29, v48  }
0x1ec: {  	v23 =	vor.u32 $0x1, v3;
	[tilespmem:v25+s13+$0x0] =	vst.idx.msk vm0, v6;
	v25 =	vor.u32 $0x6, v3;
	v6 =	vor.u32 $0x8, v3  }
0x1ed: {  	[tilespmem:v21+s13+$0x0] =	vst.idx.msk vm0, v50;
	v35 =	vadd.f32 v60, v20;
	v54 =	vmul.f32 v52, v48;
	v53 =	vadd.f32 $-1.666666720e-01, v29  }
0x1ee: {  	v32 =	vsub.f32 v62, v63;
	v63 =	vmul.f32 v42, v56;
	v42 =	vld.idx.msk [tilespmem:v3+s13+$0x0], $0xffff;
	[tilespmem:v19+s13+$0x0] =	vst.idx.msk vm0, v37  }
0x1ef: {  	v21 =	vor.u32 $0x5, v3;
	[tilespmem:v18+s13+$0x0] =	vst.idx.msk vm0, v5;
	v45 =	vld.idx.msk [tilespmem:v26+s13+$0x0], $0xffff;
	v60 =	vadd.f32 $-5.000000000e-01, v54;
	v59 =	vmul.f32 v53, v48  }
0x1f0: {  	v30 =	vadd.f32 v58, v55;
	v20 =	vor.u32 $0x4, v3;
	v19 =	vor.u32 $0xA, v3;
	[tilespmem:v24+s13+$0x0] =	vst.idx.msk vm0, v40;
	v40 =	vld.idx.msk [tilespmem:v27+s13+$0x0], $0xffff  }
0x1f1: {  	v5 =	vor.u32 $0x9, v3;
	v37 =	vld.idx.msk [tilespmem:v23+s13+$0x0], $0xffff;
	v62 =	vmul.f32 v60, v48;
	v61 =	vadd.f32 $1.000000000e+00, v59  }
0x1f2: {  	v18 =	vor.u32 $0xB, v3;
	v24 =	vor.u32 $0xE, v3;
	[tilespmem:v22+s13+$0x0] =	vst.idx.msk vm0, v43;
	v50 =	vld.idx.msk [tilespmem:v25+s13+$0x0], $0xffff;
	v22 =	vor.u32 $0xD, v3  }
0x1f3: {  	[tilespmem:v15+s13+$0x0] =	vst.idx.msk vm0, v49;
	v49 =	vmul.f32 v17, v56;
	v53 =	vadd.f32 $1.000000000e+00, v62;
	v38 =	vmul.f32 v61, v38  }
0x1f4: {  	v46 =	vld.idx.msk [tilespmem:v6+s13+$0x0], $0xffff;
	v15 =	vor.u32 $0x11, v3;
	[tilespmem:v12+s13+$0x0] =	vst.idx.msk vm0, v36;
	v12 =	vor.u32 $0x13, v3;
	v29 =	vmul.f32 v17, v57  }
0x1f5: {  	v43 =	vld.idx.msk [tilespmem:v20+s13+$0x0], $0xffff;
	v54 =	vand.u32 $0x3, v47;
	v57 =	vsub.f32 $0.0e+00, v53;
	v55 =	vsub.f32 $0.0e+00, v38  }
0x1f6: {  	v56 =	vld.idx.msk [tilespmem:v19+s13+$0x0], $0xffff;
	v17 =	vor.u32 $0x12, v3;
	vm6 =	veq.s32 v54, $0x2;
	vm7 =	veq.s32 v54, $0x1  }
0x1f7: {  	[tilespmem:v11+s13+$0x0] =	vst.idx.msk vm0, v41;
	vm8 =	veq.s32 v54, $0x0;
	v58 =	vsel vm6, v57, v38;
	v47 =	vsel vm6, v55, v57  }
0x1f8: {  	[tilespmem:v10+s13+$0x0] =	vst.idx.msk vm0, v39;
	v10 =	vor.u32 $0x15, v3;
	v59 =	vsel vm7, v55, v58;
	v60 =	vsel vm7, v53, v47  }
0x1f9: {  	v11 =	vld.idx.msk [tilespmem:v24+s13+$0x0], $0xffff;
	v31 =	vsub.f32 v29, v63;
	v44 =	vsel vm8, v53, v59;
	v38 =	vsel vm8, v38, v60  }
0x1fa: {  	v48 =	vld.idx.msk [tilespmem:v21+s13+$0x0], $0xffff;
	v29 =	vor.u32 $0x10, v3;
	v61 =	vmul.f32 v44, v42;
	v62 =	vmul.f32 v38, v37  }
0x1fb: {  	v36 =	vld.idx.msk [tilespmem:v22+s13+$0x0], $0xffff;
	[tilespmem:v9+s13+$0x0] =	vst.idx.msk vm0, v33;
	v60 =	vmul.f32 v44, v37;
	v63 =	vmul.f32 v38, v42  }
0x1fc: {  	v9 =	vor.u32 $0x16, v3;
	[tilespmem:v8+s13+$0x0] =	vst.idx.msk vm0, v35;
	v8 =	vld.idx.msk [tilespmem:v15+s13+$0x0], $0xffff;
	v35 =	vor.u32 $0x17, v3;
	v51 =	vsub.f32 v61, v62  }
0x1fd: {  	[tilespmem:v4+s13+$0x0] =	vst.idx.msk vm0, v32;
	v32 =	vor.u32 $0x18, v3;
	v61 =	vadd.f32 v63, v60;
	v62 =	vadd.f32 v43, v40  }
0x1fe: {  	v4 =	vld.idx.msk [tilespmem:v17+s13+$0x0], $0xffff;
	v57 =	vor.u32 $0xF, v3;
	v55 =	vor.u32 $0x14, v3;
	v60 =	vand.u32 $0x7FFFFFFF, v45  }
0x1ff: {  	v63 =	vand.u32 $0x7FFFFFFF, v51;
	v59 =	vand.u32 $0x7FFFFFFF, v61;
	v54 =	vadd.f32 v48, v62;
	v51 =	vld [tilespmem:s25+$0x10]  }
0x200: {  	[tilespmem:v16+s13+$0x0] =	vst.idx.msk vm0, v30;
	vm9 =	vgt.f32 v59, v63;
	v41 =	vmax.f32 v63, v59;
	v59 =	vsub.f32 $0.0e+00, v44  }
0x201: {  	v16 =	vld.idx.msk [tilespmem:v12+s13+$0x0], $0xffff;
	vm10 =	vgt.f32 v60, v41;
	v41 =	vmax.f32 v41, v60;
	v61 =	vand.u32 $0x7FFFFFFF, v54  }
0x202: {  	v33 =	vld.idx.msk [tilespmem:v29+s13+$0x0], $0xffff;
	v62 =	vsel vm9, $0x1, v2;
	v60 =	vsub.f32 $0.0e+00, v38;
	vm11 =	vgt.f32 v61, v41  }
0x203: {  	v58 =	vld.idx.msk [tilespmem:v18+s13+$0x0], $0xffff;
	v63 =	vsel vm10, $0x2, v62;
	v61 =	vadd.f32 v49, v34;
	vm12 =	vmneg vm11  }
0x204: {  	[tilespmem:v14+s13+$0x0] =	vst.idx.msk vm0, v31;
	v47 =	vld.idx.msk [tilespmem:v28+s13+$0x0], $0xffff;
	vm13 =	vne.s32 v51, $0x0;
	v62 =	vnsel vm12, $0x3, v63;
	vm2 =	vmand vm12, vm10  }
0x205: {  	v53 =	vld.idx.msk [tilespmem:v5+s13+$0x0], $0xffff;
	vm14 =	veq.s32 v62, $0x1;
	v63 =	vsel vm2, v59, v60;
	v30 =	vsel vm2, v38, v59  }
0x206: {  	v39 =	vld.idx.msk [tilespmem:v57+s13+$0x0], $0xffff;
	vm15 =	veq.s32 v62, $0x0;
	v38 =	vsel vm14, v38, v63;
	v30 =	vsel vm14, v44, v30  }
0x207: {  	v31 =	vld.idx.msk [tilespmem:v55+s13+$0x0], $0xffff;
	v34 =	vcvt.s32.f32 v62;
	v38 =	vsel vm15, v44, v38;
	v30 =	vsel vm15, v60, v30  }
0x208: {  	v41 =	vld.idx.msk [tilespmem:v10+s13+$0x0], $0xffff;
	v52 =	vmul.f32 v38, v42;
	v54 =	vmul.f32 v30, v37  }
0x209: {  	v49 =	vld.idx.msk [tilespmem:v35+s13+$0x0], $0xffff;
	[tilespmem:v13+s13+$0x0] =	vst.idx.msk vm0, v61;
	v59 =	vmul.f32 v30, v42;
	v60 =	vmul.f32 v38, v37  }
0x20a: {  	v51 =	vld.idx.msk [tilespmem:v9+s13+$0x0], $0xffff;
	v61 =	vmul.f32 v38, v45;
	v62 =	vmul.f32 v30, v40;
	v14 =	vsub.f32 v52, v54  }
0x20b: {  	v13 =	vld.idx.msk [tilespmem:v32+s13+$0x0], $0xffff;
	[tilespmem:v7+s13+$0x0] =	vst.idx.msk vm13, v34;
	v7 =	vadd.f32 v60, v59  }
0x20c: {  	[tilespmem:v3+s13+$0x0] =	vst.idx.msk vm13, v14;
	v3 =	vsub.f32 v61, v62  }
0x20d: {  	v63 =	vmul.f32 v30, v45;
	v40 =	vmul.f32 v38, v40;
	[tilespmem:v23+s13+$0x0] =	vst.idx.msk vm13, v7  }
0x20e: {  	v42 =	vmul.f32 v30, v48;
	[tilespmem:v26+s13+$0x0] =	vst.idx.msk vm13, v3;
	v3 =	vmul.f32 v38, v43  }
0x20f: {  	v44 =	vmul.f32 v38, v48;
	v40 =	vadd.f32 v40, v63;
	v43 =	vmul.f32 v30, v43  }
0x210: {  	v45 =	vmul.f32 v38, v50;
	v48 =	vmul.f32 v30, v47;
	v3 =	vsub.f32 v3, v42  }
0x211: {  	[tilespmem:v27+s13+$0x0] =	vst.idx.msk vm13, v40;
	v7 =	vadd.f32 v44, v43  }
0x212: {  	[tilespmem:v20+s13+$0x0] =	vst.idx.msk vm13, v3;
	v3 =	vsub.f32 v45, v48  }
0x213: {  	v52 =	vmul.f32 v30, v50;
	v54 =	vmul.f32 v38, v47;
	[tilespmem:v21+s13+$0x0] =	vst.idx.msk vm13, v7  }
0x214: {  	v60 =	vmul.f32 v30, v53;
	[tilespmem:v25+s13+$0x0] =	vst.idx.msk vm13, v3;
	v3 =	vmul.f32 v38, v46  }
0x215: {  	v59 =	vadd.f32 v54, v52;
	v61 =	vmul.f32 v30, v46;
	v62 =	vmul.f32 v38, v53  }
0x216: {  	v63 =	vmul.f32 v38, v56;
	v25 =	vmul.f32 v30, v58;
	v3 =	vsub.f32 v3, v60  }
0x217: {  	v7 =	vadd.f32 v62, v61;
	[tilespmem:v28+s13+$0x0] =	vst.idx.msk vm13, v59  }
0x218: {  	[tilespmem:v6+s13+$0x0] =	vst.idx.msk vm13, v3;
	v3 =	vsub.f32 v63, v25  }
0x219: {  	v26 =	vmul.f32 v30, v56;
	v27 =	vmul.f32 v38, v58;
	[tilespmem:v5+s13+$0x0] =	vst.idx.msk vm13, v7  }
0x21a: {  	v34 =	vmul.f32 v30, v11;
	[tilespmem:v19+s13+$0x0] =	vst.idx.msk vm13, v3;
	v3 =	vmul.f32 v38, v36  }
0x21b: {  	v37 =	vmul.f32 v38, v11;
	v28 =	vadd.f32 v27, v26;
	v36 =	vmul.f32 v30, v36  }
0x21c: {  	v40 =	vmul.f32 v38, v39;
	v42 =	vmul.f32 v30, v33;
	v3 =	vsub.f32 v3, v34  }
0x21d: {  	[tilespmem:v18+s13+$0x0] =	vst.idx.msk vm13, v28;
	v5 =	vadd.f32 v37, v36  }
0x21e: {  	[tilespmem:v22+s13+$0x0] =	vst.idx.msk vm13, v3;
	v3 =	vsub.f32 v40, v42  }
0x21f: {  	v43 =	vmul.f32 v30, v39;
	v44 =	vmul.f32 v38, v33;
	[tilespmem:v24+s13+$0x0] =	vst.idx.msk vm13, v5  }
0x220: {  	v46 =	vmul.f32 v30, v4;
	[tilespmem:v57+s13+$0x0] =	vst.idx.msk vm13, v3;
	v3 =	vmul.f32 v38, v8  }
0x221: {  	v47 =	vmul.f32 v30, v8;
	v45 =	vadd.f32 v44, v43;
	v4 =	vmul.f32 v38, v4  }
0x222: {  	v50 =	vmul.f32 v30, v31;
	v48 =	vmul.f32 v38, v16;
	v3 =	vsub.f32 v3, v46  }
0x223: {  	v4 =	vadd.f32 v4, v47;
	[tilespmem:v29+s13+$0x0] =	vst.idx.msk vm13, v45  }
0x224: {  	v52 =	vmul.f32 v30, v16;
	[tilespmem:v15+s13+$0x0] =	vst.idx.msk vm13, v3;
	v3 =	vsub.f32 v48, v50  }
0x225: {  	v53 =	vmul.f32 v38, v31;
	v56 =	vmul.f32 v30, v51;
	[tilespmem:v17+s13+$0x0] =	vst.idx.msk vm13, v4  }
0x226: {  	v61 =	vmul.f32 v30, v49;
	[tilespmem:v12+s13+$0x0] =	vst.idx.msk vm13, v3;
	v3 =	vmul.f32 v38, v41  }
0x227: {  	s24 =	sadd.s32 $0x4, s24;
	v54 =	vadd.f32 v53, v52;
	v58 =	vmul.f32 v38, v51;
	v57 =	vmul.f32 v30, v41  }
0x228: {  	p0 =	slt.u32 s24, $0xC;
	v59 =	vmul.f32 v38, v49;
	v60 =	vmul.f32 v30, v13;
	v3 =	vsub.f32 v3, v56  }
.Ltmp1:
0x229: {  	v62 =	vmul.f32 v38, v13;
	v4 =	vadd.f32 v58, v57;
	[tilespmem:v55+s13+$0x0] =	vst.idx.msk vm13, v54;
	(pc) =	sbr.rel @p0 .LBB2_5-.Ltmp1, $4  }
0x22a: {  	[tilespmem:v10+s13+$0x0] =	vst.idx.msk vm13, v3;
	v3 =	vsub.f32 v59, v60  }
0x22b: {  	v63 =	vadd.f32 v62, v61;
	[tilespmem:v9+s13+$0x0] =	vst.idx.msk vm13, v4  }
0x22c: {  	[tilespmem:v35+s13+$0x0] =	vst.idx.msk vm13, v3  }
0x22d: {  	s23 =	sadd.s32 $0x40, s23;
	s25 =	sadd.s32 $0x40, s25;
	[tilespmem:v32+s13+$0x0] =	vst.idx.msk vm13, v63  }
0x22e: {  	p0 =	seq.s32 s20, $0x3F  }
0x22f: {  	_ =	swait.ge [sflag:s17], $0x8000;
	s22 =	sadd.s32 @!p0 s22, s9  }
0x230: {  	[sflag:s17] =	ssyncset.done $0x0;
	s24 =	simm.s32 @!p0 $0x0;
	s23 =	sshll.u32 @!p0 s22, $0x4  }
0x231: {  	[sflag:s17] =	ssyncadd.s32 $0xFFFF8000;
	s22 =	sshrl.u32 @!p0 s22, $0x3;
	s23 =	sadd.s32 @!p0 s4, s23  }
0x232: {  	[tilespmem:s24], [sflag:$0x1] =	stream.linear.gather @!p0 [hbm4b:s23+s24], $0x8000, $0x38;
	[tilespmem:$0x10200] =	vst v63  }
0x233: {  	s20 =	sadd.s32 $0x1, s20;
	s22 =	sadd.s32 @!p0 s1, s22;
	s23 =	simm.s32 @!p0 $0x10000  }
0x234: {  	[tilespmem:s23], [sflag:$0x1] =	stream.linear.gather @!p0 [hbm4b:s22+s24], $0x100, $0x38;
	[tilespmem:$0x10200] =	vst v63  }
0x235: {  	p0 =	sne.s32 s20, $0x40  }
.Ltmp2:
0x236: {  	_ = 	snop;
	(pc) =	sbr.rel @p0 .LBB2_2-.Ltmp2, $3  }
0x237: {  	_ =	sdelay $0x1  }
0x238: {  	s21 =	sadd.s32 s5, s21  }
0x239: {  	[hbm4b:s21+s3] =	stream.linear.scatter [tilespmem:s13], [sflag:$0x4], $0x8000, $0x38;
	[tilespmem:$0x10200] =	vst v63  }
0x23a: {  	s19 =	sadd.s32 $0x1, s19  }
0x23b: {  	p0 =	sne.s32 s19, s10  }
.Ltmp3:
0x23c: {  	_ = 	snop;
	(pc) =	sbr.rel @p0 .LBB2_1-.Ltmp3, $4  }
0x23d: {  	_ = 	snop  }
0x23e: {  	_ =	swait.ge [sflag:s18], $0x8000  }
0x23f: {  	[sflag:s18] =	ssyncset.done $0x0  }
0x240: {  	[sflag:s18] =	ssyncadd.s32 $0xFFFF8000  }
0x241: {  	_ =	sfence.sel $0x180000  }
0x242: {  	[bflag:$0x0] =	sbarrier.arrive $0xFFFF  }
0x243: {  	p0 =	sne.s32 s2, $0x0;
	_ =	strace $0x90000047  }
0x244: {  	s0 =	sadd.s32 @!p0 $0x100000, s0;
	[bflag:$0x2] =	sbarrier.arrive $0xFFFF  }
0x245: {  	[sflag:s0] =	ssyncadd.tile.s32 @!p0 $0x1;
	_ =	shalt  }
.Lfunc_end2:
_tile_overlayer_lowered:
.L_overlay_start_2:
0x246: {  	(tag) =	ssettag $0x2  }
0x247: {  	s0 =	rddreg [dreg:$0x0];
	s2 =	stileid.u32  }
0x248: {  	s1 =	rddreg [dreg:$0x1];
	p0 =	sne.s32 s2, $0x0  }
0x249: {  	s3 =	rddreg [dreg:$0x2];
	[bflag:$0x3] =	sbarrier.arrive $0xFFFF;
	s2 =	simm.s32 @!p0 $0x1C05  }
0x24a: {  	[timem:s3], [sflag:s2] =	dma.local @!p0 [hbm:s0], s1  }
0x24b: {  	s0 =	simm.s32 @!p0 $0x5  }
0x24c: {  	_ =	swait.ge @!p0 [sflag:s0], s1  }
0x24d: {  	s1 =	ssub.s32 @!p0 $0x0, s1;
	[sflag:s0] =	ssyncset.done @!p0 $0x0  }
0x24e: {  	[sflag:s0] =	ssyncadd.s32 @!p0 s1  }
0x24f: {  	[bflag:$0x3] =	sbarrier.arrive $0xFFFF  }
0x250: {  	_ =	shalt  }

</sc_bundles>
